<compile_context>
chip_gen: v7x
topology: tpu7x:2x2x1
jax: 0.10.2.dev20260603
libtpu: 0.0.44.dev20260713+nightly
codegen_flags: <defaults>
</compile_context>

<pallas_src>
import functools

import jax
import jax.numpy as jnp
from jax import lax
from jax.experimental import pallas as pl
from jax.experimental.pallas import tpu as pltpu
from jax.experimental.pallas import tpu_sc as plsc

_VOCAB = 100000
_C = 50
_CP = 64
_TW = 128
_B = 1024
_L = 200
_NW = 32
_BW = _B // _NW
_L0 = 128
_L1 = _L - _L0
_VB = 16384
_NVB = 7
_VP = _NVB * _VB


def _tr_body(w_ref, wt_ref):
  x = w_ref[...]
  xp = jnp.concatenate([x, jnp.zeros((_CP - _C, _VB), jnp.float32)], axis=0)
  wt_ref[:, : _CP] = xp[:, : _VB // 2].T
  wt_ref[:, _CP:] = xp[:, _VB // 2 :].T


def _make_table(W):
  return pl.pallas_call(
      _tr_body,
      grid=(_NVB,),
      in_specs=[pl.BlockSpec((_C, _VB), lambda i: (0, i))],
      out_specs=pl.BlockSpec((_VB // 2, _TW), lambda i: (i, 0)),
      out_shape=jax.ShapeDtypeStruct((_VP // 2, _TW), jnp.float32),
  )(W)


def _sc_body(wt_hbm, ids_hbm, len_hbm, bias_hbm, out_hbm,
             idx_v, buf0_v, buf1_v, out_v, len_v, inv_v, bias_v, sem0, sem1):
  wid = lax.axis_index("s") * 2 + lax.axis_index("c")
  base = wid * _BW

  pltpu.sync_copy(ids_hbm.at[pl.ds(base, _BW)], idx_v)
  pltpu.sync_copy(len_hbm.at[pl.ds(base, _BW)], len_v)
  pltpu.sync_copy(bias_hbm, bias_v)

  for c in range(_BW // 16):
    lens = len_v[pl.ds(c * 16, 16)].astype(jnp.float32)
    inv_v[pl.ds(c * 16, 16)] = 1.0 / lens

  bias = [bias_v[pl.ds(c * 16, 16)] for c in range(_CP // 16)]
  bufs = (buf0_v, buf1_v)
  sems = (sem0, sem1)

  def issue(r, buf, sem):
    pltpu.async_copy(wt_hbm.at[idx_v.at[r, pl.ds(0, _L0)]],
                     buf.at[pl.ds(0, _L0)], sem)
    pltpu.async_copy(wt_hbm.at[idx_v.at[r, pl.ds(_L0, _L1)]],
                     buf.at[pl.ds(_L0, _L1)], sem)

  def drain(r, buf, sem):
    pltpu.make_async_copy(wt_hbm.at[idx_v.at[r, pl.ds(0, _L0)]],
                          buf.at[pl.ds(0, _L0)], sem).wait()
    pltpu.make_async_copy(wt_hbm.at[idx_v.at[r, pl.ds(_L0, _L1)]],
                          buf.at[pl.ds(_L0, _L1)], sem).wait()

  def consume(r, buf):
    def acc_step(j8, accs):
      out = list(accs)
      for k in range(8):
        j = j8 * 8 + k
        for c in range(_CP // 16):
          out[c] = out[c] + buf[j, pl.ds(c * 16, 16)]
      return tuple(out)

    zeros = tuple(jnp.zeros((16,), jnp.float32) for _ in range(_CP // 16))
    accs = lax.fori_loop(0, _L // 8, acc_step, zeros, unroll=False)

    inv = jnp.full((16,), inv_v[pl.ds(r, 16)][0], jnp.float32)
    for c in range(_CP // 16):
      out_v[r, pl.ds(c * 16, 16)] = accs[c] * inv + bias[c]

  issue(0, buf0_v, sem0)

  def row_pair(rp, carry):
    for k in range(2):
      r = 2 * rp + k

      @pl.when(r < _BW - 1)
      def _prefetch():
        issue(r + 1, bufs[1 - k], sems[1 - k])

      drain(r, bufs[k], sems[k])
      consume(r, bufs[k])
    return carry

  lax.fori_loop(0, _BW // 2, row_pair, 0, unroll=False)

  pltpu.sync_copy(out_v, out_hbm.at[pl.ds(base, _BW)])


@jax.jit
def _bow_logits(wt, ids, lens, bias):
  mesh = plsc.VectorSubcoreMesh(core_axis_name="c", subcore_axis_name="s")
  f = pl.kernel(
      _sc_body,
      out_type=jax.ShapeDtypeStruct((_B, _CP), jnp.float32),
      mesh=mesh,
      compiler_params=pltpu.CompilerParams(use_tc_tiling_on_sc=False),
      scratch_types=[
          pltpu.VMEM((_BW, _L), jnp.int32),
          pltpu.VMEM((_L, _CP), jnp.float32),
          pltpu.VMEM((_L, _CP), jnp.float32),
          pltpu.VMEM((_BW, _CP), jnp.float32),
          pltpu.VMEM((_BW,), jnp.int32),
          pltpu.VMEM((_BW + 16,), jnp.float32),
          pltpu.VMEM((_CP,), jnp.float32),
          pltpu.SemaphoreType.DMA,
          pltpu.SemaphoreType.DMA,
      ],
  )
  return f(wt, ids, lens, bias)


def kernel(seq_lengths, input_ids, W, b):
  wt = _make_table(W).reshape(_VP, _CP)
  bias = jnp.zeros((_CP,), jnp.float32).at[:_C].set(b)
  ids = input_ids.astype(jnp.int32)
  hb = _VB // 2
  ids = (ids & ~(_VB - 1)) + 2 * (ids & (hb - 1)) + ((ids // hb) & 1)
  out = _bow_logits(wt, ids, seq_lengths.astype(jnp.int32), bias)
  return out[:, :_C]

# --- scband reference (transcript-rebuilt; emitter-appended) ---
"""Pipeline reference for scband-bowbaseline-19224273617086 (READ-ONLY COPY).

The authoritative reference and input builder live on the scoring server;
editing this copy changes nothing except your own understanding.
"""

import jax, jax.numpy as jnp
import numpy as np

VOCAB = 100000
NUM_CLASSES = 50
B = 1024
L = 200

def setup_inputs(seed: int = 0) -> dict:
    key = jax.random.key(seed)
    k1, k2, k3, k4 = jax.random.split(key, 4)
    # lengths clamped to >=1 to avoid divide-by-zero (faithful to realistic data)
    seq_lengths = jax.random.randint(k1, (B,), 1, 200)
    input_ids = jax.random.randint(k2, (B, L), 0, VOCAB)
    # nn.Linear(vocab_size, num_classes): weight [num_classes, vocab], bias [num_classes]
    bound = 1.0 / np.sqrt(VOCAB)
    W = jax.random.uniform(k3, (NUM_CLASSES, VOCAB), dtype=jnp.float32, minval=-bound, maxval=bound)
    b = jax.random.uniform(k4, (NUM_CLASSES,), dtype=jnp.float32, minval=-bound, maxval=bound)
    return {"seq_lengths": seq_lengths, "input_ids": input_ids, "W": W, "b": b}

def reference(seq_lengths, input_ids, W, b):
    bsz = input_ids.shape[0]
    # bag-of-words via scatter-add: bow[i].index_add_(0, ids, ones)
    bow = jnp.zeros((bsz, VOCAB), dtype=jnp.float32)
    rows = jnp.arange(bsz)[:, None]
    bow = bow.at[rows, input_ids].add(jnp.ones(input_ids.shape, dtype=jnp.float32))
    bow = bow / seq_lengths.astype(jnp.float32)[:, None]
    logits = bow @ W.T + b
    return logits

if __name__ == "__main__":
    import jax
    _d = setup_inputs()
    print(jax.jit(kernel)(*tuple(_d.values())))

</pallas_src>

<mosaic_0001>
#map = affine_map<(d0, d1) -> (0, 0)>
#map1 = affine_map<(d0, d1) -> (0)>
module attributes {stable_mosaic.version = 14 : i64} {
  func.func @_sc_body(%arg0: i32, %arg1: i32, %arg2: memref<114688x64xf32, #tpu.memory_space<hbm>>, %arg3: memref<1024x200xi32, #tpu.memory_space<hbm>>, %arg4: memref<1024xi32, #tpu.memory_space<hbm>>, %arg5: memref<64xf32, #tpu.memory_space<hbm>>, %arg6: memref<1024x64xf32, #tpu.memory_space<hbm>>, %arg7: memref<32x200xi32, #tpu.memory_space<vmem>>, %arg8: memref<200x64xf32, #tpu.memory_space<vmem>>, %arg9: memref<200x64xf32, #tpu.memory_space<vmem>>, %arg10: memref<32x64xf32, #tpu.memory_space<vmem>>, %arg11: memref<32xi32, #tpu.memory_space<vmem>>, %arg12: memref<48xf32, #tpu.memory_space<vmem>>, %arg13: memref<64xf32, #tpu.memory_space<vmem>>, %arg14: memref<!tpu.dma_semaphore, #tpu.memory_space<semaphore_mem>>, %arg15: memref<!tpu.dma_semaphore, #tpu.memory_space<semaphore_mem>>) attributes {dimension_semantics = [#tpu.dimension_semantics<core_parallel>, #tpu.dimension_semantics<subcore_parallel>], iteration_bounds = array<i64: 2, 16>, scalar_prefetch = 0 : i64, scratch_operands = 9 : i64, tpu.core_type = #tpu.core_type<sc_vector_subcore>, window_params = [{transform_indices = #map}, {transform_indices = #map}, {transform_indices = #map1}, {transform_indices = #map1}, {transform_indices = #map}]} {
    %mul3A = arith.constant 2 : i32
    %mul3A_0 = arith.muli %arg1, %mul3A : i32
    %add3A = arith.addi %mul3A_0, %arg0 : i32
    %mul3A_1 = arith.constant 32 : i32
    %mul3A_2 = arith.muli %add3A, %mul3A_1 : i32
    "tpu.region"() ({
      %run_scoped3A = tpu.sem_alloc : memref<!tpu.dma_semaphore, #tpu.memory_space<semaphore_mem>>
      %dma_start3A_57 = arith.constant 0 : i32
      %dma_start3A_58 = tpu.memref_slice %arg3[%mul3A_2, %dma_start3A_57] : memref<1024x200xi32, #tpu.memory_space<hbm>> -> memref<32x200xi32, #tpu.memory_space<hbm>>
      %dma_start3A_59 = arith.constant 0 : i32
      %dma_start3A_60 = tpu.memref_slice %arg3[%mul3A_2, %dma_start3A_59] : memref<1024x200xi32, #tpu.memory_space<hbm>> -> memref<32x200xi32, #tpu.memory_space<hbm>>
      tpu.enqueue_dma source(%dma_start3A_60 : memref<32x200xi32, #tpu.memory_space<hbm>>) target(%arg7 : memref<32x200xi32, #tpu.memory_space<vmem>>) target_semaphore(%run_scoped3A : memref<!tpu.dma_semaphore, #tpu.memory_space<semaphore_mem>>)
      %dma_wait3A = arith.constant 0 : i32
      %dma_wait3A_61 = tpu.memref_slice %arg3[%mul3A_2, %dma_wait3A] : memref<1024x200xi32, #tpu.memory_space<hbm>> -> memref<32x200xi32, #tpu.memory_space<hbm>>
      %dma_wait3A_62 = arith.constant 0 : i32
      %dma_wait3A_63 = tpu.memref_slice %arg3[%mul3A_2, %dma_wait3A_62] : memref<1024x200xi32, #tpu.memory_space<hbm>> -> memref<32x200xi32, #tpu.memory_space<hbm>>
      tpu.wait_dma2 semaphore(%run_scoped3A : memref<!tpu.dma_semaphore, #tpu.memory_space<semaphore_mem>>) src(%dma_wait3A_63 : memref<32x200xi32, #tpu.memory_space<hbm>>) dst(%arg7 : memref<32x200xi32, #tpu.memory_space<vmem>>)
      tpu.yield
    }) : () -> ()
    "tpu.region"() ({
      %run_scoped3A = tpu.sem_alloc : memref<!tpu.dma_semaphore, #tpu.memory_space<semaphore_mem>>
      %dma_start3A_57 = tpu.memref_slice %arg4[%mul3A_2] : memref<1024xi32, #tpu.memory_space<hbm>> -> memref<32xi32, #tpu.memory_space<hbm>>
      %dma_start3A_58 = tpu.memref_slice %arg4[%mul3A_2] : memref<1024xi32, #tpu.memory_space<hbm>> -> memref<32xi32, #tpu.memory_space<hbm>>
      tpu.enqueue_dma source(%dma_start3A_58 : memref<32xi32, #tpu.memory_space<hbm>>) target(%arg11 : memref<32xi32, #tpu.memory_space<vmem>>) target_semaphore(%run_scoped3A : memref<!tpu.dma_semaphore, #tpu.memory_space<semaphore_mem>>)
      %dma_wait3A = tpu.memref_slice %arg4[%mul3A_2] : memref<1024xi32, #tpu.memory_space<hbm>> -> memref<32xi32, #tpu.memory_space<hbm>>
      %dma_wait3A_59 = tpu.memref_slice %arg4[%mul3A_2] : memref<1024xi32, #tpu.memory_space<hbm>> -> memref<32xi32, #tpu.memory_space<hbm>>
      tpu.wait_dma2 semaphore(%run_scoped3A : memref<!tpu.dma_semaphore, #tpu.memory_space<semaphore_mem>>) src(%dma_wait3A_59 : memref<32xi32, #tpu.memory_space<hbm>>) dst(%arg11 : memref<32xi32, #tpu.memory_space<vmem>>)
      tpu.yield
    }) : () -> ()
    "tpu.region"() ({
      %run_scoped3A = tpu.sem_alloc : memref<!tpu.dma_semaphore, #tpu.memory_space<semaphore_mem>>
      tpu.enqueue_dma source(%arg5 : memref<64xf32, #tpu.memory_space<hbm>>) target(%arg13 : memref<64xf32, #tpu.memory_space<vmem>>) target_semaphore(%run_scoped3A : memref<!tpu.dma_semaphore, #tpu.memory_space<semaphore_mem>>)
      tpu.wait_dma2 semaphore(%run_scoped3A : memref<!tpu.dma_semaphore, #tpu.memory_space<semaphore_mem>>) src(%arg5 : memref<64xf32, #tpu.memory_space<hbm>>) dst(%arg13 : memref<64xf32, #tpu.memory_space<vmem>>)
      tpu.yield
    }) : () -> ()
    %get3A = arith.constant 0 : index
    %get3A_3 = tpu.vector_load %arg11[%get3A] {strides = array<i32>} : memref<32xi32, #tpu.memory_space<vmem>>, vector<16xi32>,
    %get3A_4 = vector.shape_cast %get3A_3 : vector<16xi32> to vector<16xi32>
    %convert_element_type3A = arith.sitofp %get3A_4 : vector<16xi32> to vector<16xf32>
    %div3A = arith.constant 1.000000e+00 : f32
    %div3A_5 = vector.broadcast %div3A : f32 to vector<16xf32>
    %div3A_6 = arith.divf %div3A_5, %convert_element_type3A : vector<16xf32>
    %swap3A = arith.constant 0 : index
    %swap3A_7 = tpu.vector_load %arg12[%swap3A] {strides = array<i32>} : memref<48xf32, #tpu.memory_space<vmem>>, vector<16xf32>,
    %swap3A_8 = vector.shape_cast %swap3A_7 : vector<16xf32> to vector<16xf32>
    %swap3A_9 = vector.shape_cast %div3A_6 : vector<16xf32> to vector<16xf32>
    tpu.vector_store %arg12[%swap3A], %swap3A_9 {strides = array<i32>} : memref<48xf32, #tpu.memory_space<vmem>>, vector<16xf32>,
    %get3A_10 = arith.constant 16 : index
    %get3A_11 = tpu.vector_load %arg11[%get3A_10] {strides = array<i32>} : memref<32xi32, #tpu.memory_space<vmem>>, vector<16xi32>,
    %get3A_12 = vector.shape_cast %get3A_11 : vector<16xi32> to vector<16xi32>
    %convert_element_type3A_13 = arith.sitofp %get3A_12 : vector<16xi32> to vector<16xf32>
    %div3A_14 = arith.constant 1.000000e+00 : f32
    %div3A_15 = vector.broadcast %div3A_14 : f32 to vector<16xf32>
    %div3A_16 = arith.divf %div3A_15, %convert_element_type3A_13 : vector<16xf32>
    %swap3A_17 = arith.constant 16 : index
    %swap3A_18 = tpu.vector_load %arg12[%swap3A_17] {strides = array<i32>} : memref<48xf32, #tpu.memory_space<vmem>>, vector<16xf32>,
    %swap3A_19 = vector.shape_cast %swap3A_18 : vector<16xf32> to vector<16xf32>
    %swap3A_20 = vector.shape_cast %div3A_16 : vector<16xf32> to vector<16xf32>
    tpu.vector_store %arg12[%swap3A_17], %swap3A_20 {strides = array<i32>} : memref<48xf32, #tpu.memory_space<vmem>>, vector<16xf32>,
    %get3A_21 = arith.constant 0 : index
    %get3A_22 = tpu.vector_load %arg13[%get3A_21] {strides = array<i32>} : memref<64xf32, #tpu.memory_space<vmem>>, vector<16xf32>,
    %get3A_23 = vector.shape_cast %get3A_22 : vector<16xf32> to vector<16xf32>
    %get3A_24 = arith.constant 16 : index
    %get3A_25 = tpu.vector_load %arg13[%get3A_24] {strides = array<i32>} : memref<64xf32, #tpu.memory_space<vmem>>, vector<16xf32>,
    %get3A_26 = vector.shape_cast %get3A_25 : vector<16xf32> to vector<16xf32>
    %get3A_27 = arith.constant 32 : index
    %get3A_28 = tpu.vector_load %arg13[%get3A_27] {strides = array<i32>} : memref<64xf32, #tpu.memory_space<vmem>>, vector<16xf32>,
    %get3A_29 = vector.shape_cast %get3A_28 : vector<16xf32> to vector<16xf32>
    %get3A_30 = arith.constant 48 : index
    %get3A_31 = tpu.vector_load %arg13[%get3A_30] {strides = array<i32>} : memref<64xf32, #tpu.memory_space<vmem>>, vector<16xf32>,
    %get3A_32 = vector.shape_cast %get3A_31 : vector<16xf32> to vector<16xf32>
    %dma_start3A = arith.constant 0 : i32
    %dma_start3A_33 = arith.constant 0 : i32
    %dma_start3A_34 = arith.constant 0 : i32
    %dma_start3A_35 = tpu.memref_slice %arg8[%dma_start3A_33, %dma_start3A_34] : memref<200x64xf32, #tpu.memory_space<vmem>> -> memref<128x64xf32, #tpu.memory_space<vmem>>
    %dma_start3A_36 = arith.constant 0 : i32
    %dma_start3A_37 = tpu.memref_slice %arg7[%dma_start3A, %dma_start3A_36] : memref<32x200xi32, #tpu.memory_space<vmem>> -> memref<1x128xi32, #tpu.memory_space<vmem>>
    %dma_start3A_38 = tpu.memref_squeeze %dma_start3A_37 : memref<1x128xi32, #tpu.memory_space<vmem>> -> memref<128xi32, #tpu.memory_space<vmem>>
    %dma_start3A_39 = arith.constant 0 : i32
    %dma_start3A_40 = arith.constant 0 : i32
    %dma_start3A_41 = tpu.memref_slice %arg2[%dma_start3A_39, %dma_start3A_40] : memref<114688x64xf32, #tpu.memory_space<hbm>> -> memref<114688x64xf32, #tpu.memory_space<hbm>>
    tpu.enqueue_indirect_dma source(%dma_start3A_41 : memref<114688x64xf32, #tpu.memory_space<hbm>>) target(%dma_start3A_35 : memref<128x64xf32, #tpu.memory_space<vmem>>) offsets(%dma_start3A_38 : memref<128xi32, #tpu.memory_space<vmem>>) semaphore(%arg14 : memref<!tpu.dma_semaphore, #tpu.memory_space<semaphore_mem>>)
    %dma_start3A_42 = arith.constant 0 : i32
    %dma_start3A_43 = arith.constant 128 : i32
    %dma_start3A_44 = arith.constant 0 : i32
    %dma_start3A_45 = tpu.memref_slice %arg8[%dma_start3A_43, %dma_start3A_44] : memref<200x64xf32, #tpu.memory_space<vmem>> -> memref<72x64xf32, #tpu.memory_space<vmem>>
    %dma_start3A_46 = arith.constant 128 : i32
    %dma_start3A_47 = tpu.memref_slice %arg7[%dma_start3A_42, %dma_start3A_46] : memref<32x200xi32, #tpu.memory_space<vmem>> -> memref<1x72xi32, #tpu.memory_space<vmem>>
    %dma_start3A_48 = tpu.memref_squeeze %dma_start3A_47 : memref<1x72xi32, #tpu.memory_space<vmem>> -> memref<72xi32, #tpu.memory_space<vmem>>
    %dma_start3A_49 = arith.constant 0 : i32
    %dma_start3A_50 = arith.constant 0 : i32
    %dma_start3A_51 = tpu.memref_slice %arg2[%dma_start3A_49, %dma_start3A_50] : memref<114688x64xf32, #tpu.memory_space<hbm>> -> memref<114688x64xf32, #tpu.memory_space<hbm>>
    tpu.enqueue_indirect_dma source(%dma_start3A_51 : memref<114688x64xf32, #tpu.memory_space<hbm>>) target(%dma_start3A_45 : memref<72x64xf32, #tpu.memory_space<vmem>>) offsets(%dma_start3A_48 : memref<72xi32, #tpu.memory_space<vmem>>) semaphore(%arg14 : memref<!tpu.dma_semaphore, #tpu.memory_space<semaphore_mem>>)
    %scan3A = arith.constant 0 : i32
    %scan3A_52 = arith.constant 0 : i32
    %scan3A_53 = arith.constant 16 : i32
    %scan3A_54 = arith.addi %scan3A_52, %scan3A_53 : i32
    %scan3A_55 = arith.constant 1 : i32
    scf.for %scan3A_57 = %scan3A_52 to %scan3A_54 step %scan3A_55  : i32 {
      %mul3A_58 = arith.constant 2 : i32
      %mul3A_59 = arith.muli %mul3A_58, %scan3A_57 : i32
      %add3A_60 = arith.constant 0 : i32
      %add3A_61 = arith.addi %mul3A_59, %add3A_60 : i32
      %lt3A = arith.constant 31 : i32
      %lt3A_62 = arith.cmpi slt, %add3A_61, %lt3A : i32
      %convert_element_type3A_63 = arith.extui %lt3A_62 : i1 to i32
      %cond3A = arith.constant 0 : i32
      %cond3A_64 = arith.cmpi ne, %convert_element_type3A_63, %cond3A : i32
      scf.if %cond3A_64 {
        %add3A_202 = arith.constant 1 : i32
        %add3A_203 = arith.addi %add3A_61, %add3A_202 : i32
        %dma_start3A_204 = arith.constant 0 : i32
        %dma_start3A_205 = arith.constant 0 : i32
        %dma_start3A_206 = tpu.memref_slice %arg9[%dma_start3A_204, %dma_start3A_205] : memref<200x64xf32, #tpu.memory_space<vmem>> -> memref<128x64xf32, #tpu.memory_space<vmem>>
        %dma_start3A_207 = arith.constant 0 : i32
        %dma_start3A_208 = tpu.memref_slice %arg7[%add3A_203, %dma_start3A_207] : memref<32x200xi32, #tpu.memory_space<vmem>> -> memref<1x128xi32, #tpu.memory_space<vmem>>
        %dma_start3A_209 = tpu.memref_squeeze %dma_start3A_208 : memref<1x128xi32, #tpu.memory_space<vmem>> -> memref<128xi32, #tpu.memory_space<vmem>>
        %dma_start3A_210 = arith.constant 0 : i32
        %dma_start3A_211 = arith.constant 0 : i32
        %dma_start3A_212 = tpu.memref_slice %arg2[%dma_start3A_210, %dma_start3A_211] : memref<114688x64xf32, #tpu.memory_space<hbm>> -> memref<114688x64xf32, #tpu.memory_space<hbm>>
        tpu.enqueue_indirect_dma source(%dma_start3A_212 : memref<114688x64xf32, #tpu.memory_space<hbm>>) target(%dma_start3A_206 : memref<128x64xf32, #tpu.memory_space<vmem>>) offsets(%dma_start3A_209 : memref<128xi32, #tpu.memory_space<vmem>>) semaphore(%arg15 : memref<!tpu.dma_semaphore, #tpu.memory_space<semaphore_mem>>)
        %dma_start3A_213 = arith.constant 128 : i32
        %dma_start3A_214 = arith.constant 0 : i32
        %dma_start3A_215 = tpu.memref_slice %arg9[%dma_start3A_213, %dma_start3A_214] : memref<200x64xf32, #tpu.memory_space<vmem>> -> memref<72x64xf32, #tpu.memory_space<vmem>>
        %dma_start3A_216 = arith.constant 128 : i32
        %dma_start3A_217 = tpu.memref_slice %arg7[%add3A_203, %dma_start3A_216] : memref<32x200xi32, #tpu.memory_space<vmem>> -> memref<1x72xi32, #tpu.memory_space<vmem>>
        %dma_start3A_218 = tpu.memref_squeeze %dma_start3A_217 : memref<1x72xi32, #tpu.memory_space<vmem>> -> memref<72xi32, #tpu.memory_space<vmem>>
        %dma_start3A_219 = arith.constant 0 : i32
        %dma_start3A_220 = arith.constant 0 : i32
        %dma_start3A_221 = tpu.memref_slice %arg2[%dma_start3A_219, %dma_start3A_220] : memref<114688x64xf32, #tpu.memory_space<hbm>> -> memref<114688x64xf32, #tpu.memory_space<hbm>>
        tpu.enqueue_indirect_dma source(%dma_start3A_221 : memref<114688x64xf32, #tpu.memory_space<hbm>>) target(%dma_start3A_215 : memref<72x64xf32, #tpu.memory_space<vmem>>) offsets(%dma_start3A_218 : memref<72xi32, #tpu.memory_space<vmem>>) semaphore(%arg15 : memref<!tpu.dma_semaphore, #tpu.memory_space<semaphore_mem>>)
      } else {
      }
      %dma_wait3A = arith.constant 0 : i32
      %dma_wait3A_65 = arith.constant 0 : i32
      %dma_wait3A_66 = tpu.memref_slice %arg8[%dma_wait3A, %dma_wait3A_65] : memref<200x64xf32, #tpu.memory_space<vmem>> -> memref<128x64xf32, #tpu.memory_space<vmem>>
      %dma_wait3A_67 = arith.constant 0 : i32
      %dma_wait3A_68 = tpu.memref_slice %arg7[%add3A_61, %dma_wait3A_67] : memref<32x200xi32, #tpu.memory_space<vmem>> -> memref<1x128xi32, #tpu.memory_space<vmem>>
      %dma_wait3A_69 = tpu.memref_squeeze %dma_wait3A_68 : memref<1x128xi32, #tpu.memory_space<vmem>> -> memref<128xi32, #tpu.memory_space<vmem>>
      %dma_wait3A_70 = arith.constant 0 : i32
      %dma_wait3A_71 = arith.constant 0 : i32
      %dma_wait3A_72 = tpu.memref_slice %arg2[%dma_wait3A_70, %dma_wait3A_71] : memref<114688x64xf32, #tpu.memory_space<hbm>> -> memref<114688x64xf32, #tpu.memory_space<hbm>>
      tpu.wait_indirect_dma semaphore(%arg14 : memref<!tpu.dma_semaphore, #tpu.memory_space<semaphore_mem>>) src(%dma_wait3A_72 : memref<114688x64xf32, #tpu.memory_space<hbm>>) dst(%dma_wait3A_66 : memref<128x64xf32, #tpu.memory_space<vmem>>)
      %dma_wait3A_73 = arith.constant 128 : i32
      %dma_wait3A_74 = arith.constant 0 : i32
      %dma_wait3A_75 = tpu.memref_slice %arg8[%dma_wait3A_73, %dma_wait3A_74] : memref<200x64xf32, #tpu.memory_space<vmem>> -> memref<72x64xf32, #tpu.memory_space<vmem>>
      %dma_wait3A_76 = arith.constant 128 : i32
      %dma_wait3A_77 = tpu.memref_slice %arg7[%add3A_61, %dma_wait3A_76] : memref<32x200xi32, #tpu.memory_space<vmem>> -> memref<1x72xi32, #tpu.memory_space<vmem>>
      %dma_wait3A_78 = tpu.memref_squeeze %dma_wait3A_77 : memref<1x72xi32, #tpu.memory_space<vmem>> -> memref<72xi32, #tpu.memory_space<vmem>>
      %dma_wait3A_79 = arith.constant 0 : i32
      %dma_wait3A_80 = arith.constant 0 : i32
      %dma_wait3A_81 = tpu.memref_slice %arg2[%dma_wait3A_79, %dma_wait3A_80] : memref<114688x64xf32, #tpu.memory_space<hbm>> -> memref<114688x64xf32, #tpu.memory_space<hbm>>
      tpu.wait_indirect_dma semaphore(%arg14 : memref<!tpu.dma_semaphore, #tpu.memory_space<semaphore_mem>>) src(%dma_wait3A_81 : memref<114688x64xf32, #tpu.memory_space<hbm>>) dst(%dma_wait3A_75 : memref<72x64xf32, #tpu.memory_space<vmem>>)
      %broadcast_in_dim3A = arith.constant 0.000000e+00 : f32
      %broadcast_in_dim3A_82 = vector.broadcast %broadcast_in_dim3A : f32 to vector<16xf32>
      %broadcast_in_dim3A_83 = arith.constant 0.000000e+00 : f32
      %broadcast_in_dim3A_84 = vector.broadcast %broadcast_in_dim3A_83 : f32 to vector<16xf32>
      %broadcast_in_dim3A_85 = arith.constant 0.000000e+00 : f32
      %broadcast_in_dim3A_86 = vector.broadcast %broadcast_in_dim3A_85 : f32 to vector<16xf32>
      %broadcast_in_dim3A_87 = arith.constant 0.000000e+00 : f32
      %broadcast_in_dim3A_88 = vector.broadcast %broadcast_in_dim3A_87 : f32 to vector<16xf32>
      %scan3A_89 = arith.constant 0 : i32
      %scan3A_90 = arith.constant 25 : i32
      %scan3A_91 = arith.addi %scan3A_89, %scan3A_90 : i32
      %scan3A_92 = arith.constant 1 : i32
      %scan3A_93:4 = scf.for %scan3A_202 = %scan3A_89 to %scan3A_91 step %scan3A_92 iter_args(%scan3A_203 = %broadcast_in_dim3A_82, %scan3A_204 = %broadcast_in_dim3A_84, %scan3A_205 = %broadcast_in_dim3A_86, %scan3A_206 = %broadcast_in_dim3A_88) -> (vector<16xf32>, vector<16xf32>, vector<16xf32>, vector<16xf32>)  : i32 {
        %mul3A_207 = arith.constant 8 : i32
        %mul3A_208 = arith.muli %scan3A_202, %mul3A_207 : i32
        %add3A_209 = arith.constant 0 : i32
        %add3A_210 = arith.addi %mul3A_208, %add3A_209 : i32
        %get3A_211 = arith.index_cast %add3A_210 : i32 to index
        %get3A_212 = arith.constant 0 : index
        %get3A_213 = tpu.vector_load %arg8[%get3A_211, %get3A_212] {strides = array<i32>} : memref<200x64xf32, #tpu.memory_space<vmem>>, vector<1x16xf32>,
        %get3A_214 = vector.shape_cast %get3A_213 : vector<1x16xf32> to vector<16xf32>
        %add3A_215 = arith.addf %scan3A_203, %get3A_214 : vector<16xf32>
        %get3A_216 = arith.index_cast %add3A_210 : i32 to index
        %get3A_217 = arith.constant 16 : index
        %get3A_218 = tpu.vector_load %arg8[%get3A_216, %get3A_217] {strides = array<i32>} : memref<200x64xf32, #tpu.memory_space<vmem>>, vector<1x16xf32>,
        %get3A_219 = vector.shape_cast %get3A_218 : vector<1x16xf32> to vector<16xf32>
        %add3A_220 = arith.addf %scan3A_204, %get3A_219 : vector<16xf32>
        %get3A_221 = arith.index_cast %add3A_210 : i32 to index
        %get3A_222 = arith.constant 32 : index
        %get3A_223 = tpu.vector_load %arg8[%get3A_221, %get3A_222] {strides = array<i32>} : memref<200x64xf32, #tpu.memory_space<vmem>>, vector<1x16xf32>,
        %get3A_224 = vector.shape_cast %get3A_223 : vector<1x16xf32> to vector<16xf32>
        %add3A_225 = arith.addf %scan3A_205, %get3A_224 : vector<16xf32>
        %get3A_226 = arith.index_cast %add3A_210 : i32 to index
        %get3A_227 = arith.constant 48 : index
        %get3A_228 = tpu.vector_load %arg8[%get3A_226, %get3A_227] {strides = array<i32>} : memref<200x64xf32, #tpu.memory_space<vmem>>, vector<1x16xf32>,
        %get3A_229 = vector.shape_cast %get3A_228 : vector<1x16xf32> to vector<16xf32>
        %add3A_230 = arith.addf %scan3A_206, %get3A_229 : vector<16xf32>
        %mul3A_231 = arith.constant 8 : i32
        %mul3A_232 = arith.muli %scan3A_202, %mul3A_231 : i32
        %add3A_233 = arith.constant 1 : i32
        %add3A_234 = arith.addi %mul3A_232, %add3A_233 : i32
        %get3A_235 = arith.index_cast %add3A_234 : i32 to index
        %get3A_236 = arith.constant 0 : index
        %get3A_237 = tpu.vector_load %arg8[%get3A_235, %get3A_236] {strides = array<i32>} : memref<200x64xf32, #tpu.memory_space<vmem>>, vector<1x16xf32>,
        %get3A_238 = vector.shape_cast %get3A_237 : vector<1x16xf32> to vector<16xf32>
        %add3A_239 = arith.addf %add3A_215, %get3A_238 : vector<16xf32>
        %get3A_240 = arith.index_cast %add3A_234 : i32 to index
        %get3A_241 = arith.constant 16 : index
        %get3A_242 = tpu.vector_load %arg8[%get3A_240, %get3A_241] {strides = array<i32>} : memref<200x64xf32, #tpu.memory_space<vmem>>, vector<1x16xf32>,
        %get3A_243 = vector.shape_cast %get3A_242 : vector<1x16xf32> to vector<16xf32>
        %add3A_244 = arith.addf %add3A_220, %get3A_243 : vector<16xf32>
        %get3A_245 = arith.index_cast %add3A_234 : i32 to index
        %get3A_246 = arith.constant 32 : index
        %get3A_247 = tpu.vector_load %arg8[%get3A_245, %get3A_246] {strides = array<i32>} : memref<200x64xf32, #tpu.memory_space<vmem>>, vector<1x16xf32>,
        %get3A_248 = vector.shape_cast %get3A_247 : vector<1x16xf32> to vector<16xf32>
        %add3A_249 = arith.addf %add3A_225, %get3A_248 : vector<16xf32>
        %get3A_250 = arith.index_cast %add3A_234 : i32 to index
        %get3A_251 = arith.constant 48 : index
        %get3A_252 = tpu.vector_load %arg8[%get3A_250, %get3A_251] {strides = array<i32>} : memref<200x64xf32, #tpu.memory_space<vmem>>, vector<1x16xf32>,
        %get3A_253 = vector.shape_cast %get3A_252 : vector<1x16xf32> to vector<16xf32>
        %add3A_254 = arith.addf %add3A_230, %get3A_253 : vector<16xf32>
        %mul3A_255 = arith.constant 8 : i32
        %mul3A_256 = arith.muli %scan3A_202, %mul3A_255 : i32
        %add3A_257 = arith.constant 2 : i32
        %add3A_258 = arith.addi %mul3A_256, %add3A_257 : i32
        %get3A_259 = arith.index_cast %add3A_258 : i32 to index
        %get3A_260 = arith.constant 0 : index
        %get3A_261 = tpu.vector_load %arg8[%get3A_259, %get3A_260] {strides = array<i32>} : memref<200x64xf32, #tpu.memory_space<vmem>>, vector<1x16xf32>,
        %get3A_262 = vector.shape_cast %get3A_261 : vector<1x16xf32> to vector<16xf32>
        %add3A_263 = arith.addf %add3A_239, %get3A_262 : vector<16xf32>
        %get3A_264 = arith.index_cast %add3A_258 : i32 to index
        %get3A_265 = arith.constant 16 : index
        %get3A_266 = tpu.vector_load %arg8[%get3A_264, %get3A_265] {strides = array<i32>} : memref<200x64xf32, #tpu.memory_space<vmem>>, vector<1x16xf32>,
        %get3A_267 = vector.shape_cast %get3A_266 : vector<1x16xf32> to vector<16xf32>
        %add3A_268 = arith.addf %add3A_244, %get3A_267 : vector<16xf32>
        %get3A_269 = arith.index_cast %add3A_258 : i32 to index
        %get3A_270 = arith.constant 32 : index
        %get3A_271 = tpu.vector_load %arg8[%get3A_269, %get3A_270] {strides = array<i32>} : memref<200x64xf32, #tpu.memory_space<vmem>>, vector<1x16xf32>,
        %get3A_272 = vector.shape_cast %get3A_271 : vector<1x16xf32> to vector<16xf32>
        %add3A_273 = arith.addf %add3A_249, %get3A_272 : vector<16xf32>
        %get3A_274 = arith.index_cast %add3A_258 : i32 to index
        %get3A_275 = arith.constant 48 : index
        %get3A_276 = tpu.vector_load %arg8[%get3A_274, %get3A_275] {strides = array<i32>} : memref<200x64xf32, #tpu.memory_space<vmem>>, vector<1x16xf32>,
        %get3A_277 = vector.shape_cast %get3A_276 : vector<1x16xf32> to vector<16xf32>
        %add3A_278 = arith.addf %add3A_254, %get3A_277 : vector<16xf32>
        %mul3A_279 = arith.constant 8 : i32
        %mul3A_280 = arith.muli %scan3A_202, %mul3A_279 : i32
        %add3A_281 = arith.constant 3 : i32
        %add3A_282 = arith.addi %mul3A_280, %add3A_281 : i32
        %get3A_283 = arith.index_cast %add3A_282 : i32 to index
        %get3A_284 = arith.constant 0 : index
        %get3A_285 = tpu.vector_load %arg8[%get3A_283, %get3A_284] {strides = array<i32>} : memref<200x64xf32, #tpu.memory_space<vmem>>, vector<1x16xf32>,
        %get3A_286 = vector.shape_cast %get3A_285 : vector<1x16xf32> to vector<16xf32>
        %add3A_287 = arith.addf %add3A_263, %get3A_286 : vector<16xf32>
        %get3A_288 = arith.index_cast %add3A_282 : i32 to index
        %get3A_289 = arith.constant 16 : index
        %get3A_290 = tpu.vector_load %arg8[%get3A_288, %get3A_289] {strides = array<i32>} : memref<200x64xf32, #tpu.memory_space<vmem>>, vector<1x16xf32>,
        %get3A_291 = vector.shape_cast %get3A_290 : vector<1x16xf32> to vector<16xf32>
        %add3A_292 = arith.addf %add3A_268, %get3A_291 : vector<16xf32>
        %get3A_293 = arith.index_cast %add3A_282 : i32 to index
        %get3A_294 = arith.constant 32 : index
        %get3A_295 = tpu.vector_load %arg8[%get3A_293, %get3A_294] {strides = array<i32>} : memref<200x64xf32, #tpu.memory_space<vmem>>, vector<1x16xf32>,
        %get3A_296 = vector.shape_cast %get3A_295 : vector<1x16xf32> to vector<16xf32>
        %add3A_297 = arith.addf %add3A_273, %get3A_296 : vector<16xf32>
        %get3A_298 = arith.index_cast %add3A_282 : i32 to index
        %get3A_299 = arith.constant 48 : index
        %get3A_300 = tpu.vector_load %arg8[%get3A_298, %get3A_299] {strides = array<i32>} : memref<200x64xf32, #tpu.memory_space<vmem>>, vector<1x16xf32>,
        %get3A_301 = vector.shape_cast %get3A_300 : vector<1x16xf32> to vector<16xf32>
        %add3A_302 = arith.addf %add3A_278, %get3A_301 : vector<16xf32>
        %mul3A_303 = arith.constant 8 : i32
        %mul3A_304 = arith.muli %scan3A_202, %mul3A_303 : i32
        %add3A_305 = arith.constant 4 : i32
        %add3A_306 = arith.addi %mul3A_304, %add3A_305 : i32
        %get3A_307 = arith.index_cast %add3A_306 : i32 to index
        %get3A_308 = arith.constant 0 : index
        %get3A_309 = tpu.vector_load %arg8[%get3A_307, %get3A_308] {strides = array<i32>} : memref<200x64xf32, #tpu.memory_space<vmem>>, vector<1x16xf32>,
        %get3A_310 = vector.shape_cast %get3A_309 : vector<1x16xf32> to vector<16xf32>
        %add3A_311 = arith.addf %add3A_287, %get3A_310 : vector<16xf32>
        %get3A_312 = arith.index_cast %add3A_306 : i32 to index
        %get3A_313 = arith.constant 16 : index
        %get3A_314 = tpu.vector_load %arg8[%get3A_312, %get3A_313] {strides = array<i32>} : memref<200x64xf32, #tpu.memory_space<vmem>>, vector<1x16xf32>,
        %get3A_315 = vector.shape_cast %get3A_314 : vector<1x16xf32> to vector<16xf32>
        %add3A_316 = arith.addf %add3A_292, %get3A_315 : vector<16xf32>
        %get3A_317 = arith.index_cast %add3A_306 : i32 to index
        %get3A_318 = arith.constant 32 : index
        %get3A_319 = tpu.vector_load %arg8[%get3A_317, %get3A_318] {strides = array<i32>} : memref<200x64xf32, #tpu.memory_space<vmem>>, vector<1x16xf32>,
        %get3A_320 = vector.shape_cast %get3A_319 : vector<1x16xf32> to vector<16xf32>
        %add3A_321 = arith.addf %add3A_297, %get3A_320 : vector<16xf32>
        %get3A_322 = arith.index_cast %add3A_306 : i32 to index
        %get3A_323 = arith.constant 48 : index
        %get3A_324 = tpu.vector_load %arg8[%get3A_322, %get3A_323] {strides = array<i32>} : memref<200x64xf32, #tpu.memory_space<vmem>>, vector<1x16xf32>,
        %get3A_325 = vector.shape_cast %get3A_324 : vector<1x16xf32> to vector<16xf32>
        %add3A_326 = arith.addf %add3A_302, %get3A_325 : vector<16xf32>
        %mul3A_327 = arith.constant 8 : i32
        %mul3A_328 = arith.muli %scan3A_202, %mul3A_327 : i32
        %add3A_329 = arith.constant 5 : i32
        %add3A_330 = arith.addi %mul3A_328, %add3A_329 : i32
        %get3A_331 = arith.index_cast %add3A_330 : i32 to index
        %get3A_332 = arith.constant 0 : index
        %get3A_333 = tpu.vector_load %arg8[%get3A_331, %get3A_332] {strides = array<i32>} : memref<200x64xf32, #tpu.memory_space<vmem>>, vector<1x16xf32>,
        %get3A_334 = vector.shape_cast %get3A_333 : vector<1x16xf32> to vector<16xf32>
        %add3A_335 = arith.addf %add3A_311, %get3A_334 : vector<16xf32>
        %get3A_336 = arith.index_cast %add3A_330 : i32 to index
        %get3A_337 = arith.constant 16 : index
        %get3A_338 = tpu.vector_load %arg8[%get3A_336, %get3A_337] {strides = array<i32>} : memref<200x64xf32, #tpu.memory_space<vmem>>, vector<1x16xf32>,
        %get3A_339 = vector.shape_cast %get3A_338 : vector<1x16xf32> to vector<16xf32>
        %add3A_340 = arith.addf %add3A_316, %get3A_339 : vector<16xf32>
        %get3A_341 = arith.index_cast %add3A_330 : i32 to index
        %get3A_342 = arith.constant 32 : index
        %get3A_343 = tpu.vector_load %arg8[%get3A_341, %get3A_342] {strides = array<i32>} : memref<200x64xf32, #tpu.memory_space<vmem>>, vector<1x16xf32>,
        %get3A_344 = vector.shape_cast %get3A_343 : vector<1x16xf32> to vector<16xf32>
        %add3A_345 = arith.addf %add3A_321, %get3A_344 : vector<16xf32>
        %get3A_346 = arith.index_cast %add3A_330 : i32 to index
        %get3A_347 = arith.constant 48 : index
        %get3A_348 = tpu.vector_load %arg8[%get3A_346, %get3A_347] {strides = array<i32>} : memref<200x64xf32, #tpu.memory_space<vmem>>, vector<1x16xf32>,
        %get3A_349 = vector.shape_cast %get3A_348 : vector<1x16xf32> to vector<16xf32>
        %add3A_350 = arith.addf %add3A_326, %get3A_349 : vector<16xf32>
        %mul3A_351 = arith.constant 8 : i32
        %mul3A_352 = arith.muli %scan3A_202, %mul3A_351 : i32
        %add3A_353 = arith.constant 6 : i32
        %add3A_354 = arith.addi %mul3A_352, %add3A_353 : i32
        %get3A_355 = arith.index_cast %add3A_354 : i32 to index
        %get3A_356 = arith.constant 0 : index
        %get3A_357 = tpu.vector_load %arg8[%get3A_355, %get3A_356] {strides = array<i32>} : memref<200x64xf32, #tpu.memory_space<vmem>>, vector<1x16xf32>,
        %get3A_358 = vector.shape_cast %get3A_357 : vector<1x16xf32> to vector<16xf32>
        %add3A_359 = arith.addf %add3A_335, %get3A_358 : vector<16xf32>
        %get3A_360 = arith.index_cast %add3A_354 : i32 to index
        %get3A_361 = arith.constant 16 : index
        %get3A_362 = tpu.vector_load %arg8[%get3A_360, %get3A_361] {strides = array<i32>} : memref<200x64xf32, #tpu.memory_space<vmem>>, vector<1x16xf32>,
        %get3A_363 = vector.shape_cast %get3A_362 : vector<1x16xf32> to vector<16xf32>
        %add3A_364 = arith.addf %add3A_340, %get3A_363 : vector<16xf32>
        %get3A_365 = arith.index_cast %add3A_354 : i32 to index
        %get3A_366 = arith.constant 32 : index
        %get3A_367 = tpu.vector_load %arg8[%get3A_365, %get3A_366] {strides = array<i32>} : memref<200x64xf32, #tpu.memory_space<vmem>>, vector<1x16xf32>,
        %get3A_368 = vector.shape_cast %get3A_367 : vector<1x16xf32> to vector<16xf32>
        %add3A_369 = arith.addf %add3A_345, %get3A_368 : vector<16xf32>
        %get3A_370 = arith.index_cast %add3A_354 : i32 to index
        %get3A_371 = arith.constant 48 : index
        %get3A_372 = tpu.vector_load %arg8[%get3A_370, %get3A_371] {strides = array<i32>} : memref<200x64xf32, #tpu.memory_space<vmem>>, vector<1x16xf32>,
        %get3A_373 = vector.shape_cast %get3A_372 : vector<1x16xf32> to vector<16xf32>
        %add3A_374 = arith.addf %add3A_350, %get3A_373 : vector<16xf32>
        %mul3A_375 = arith.constant 8 : i32
        %mul3A_376 = arith.muli %scan3A_202, %mul3A_375 : i32
        %add3A_377 = arith.constant 7 : i32
        %add3A_378 = arith.addi %mul3A_376, %add3A_377 : i32
        %get3A_379 = arith.index_cast %add3A_378 : i32 to index
        %get3A_380 = arith.constant 0 : index
        %get3A_381 = tpu.vector_load %arg8[%get3A_379, %get3A_380] {strides = array<i32>} : memref<200x64xf32, #tpu.memory_space<vmem>>, vector<1x16xf32>,
        %get3A_382 = vector.shape_cast %get3A_381 : vector<1x16xf32> to vector<16xf32>
        %add3A_383 = arith.addf %add3A_359, %get3A_382 : vector<16xf32>
        %get3A_384 = arith.index_cast %add3A_378 : i32 to index
        %get3A_385 = arith.constant 16 : index
        %get3A_386 = tpu.vector_load %arg8[%get3A_384, %get3A_385] {strides = array<i32>} : memref<200x64xf32, #tpu.memory_space<vmem>>, vector<1x16xf32>,
        %get3A_387 = vector.shape_cast %get3A_386 : vector<1x16xf32> to vector<16xf32>
        %add3A_388 = arith.addf %add3A_364, %get3A_387 : vector<16xf32>
        %get3A_389 = arith.index_cast %add3A_378 : i32 to index
        %get3A_390 = arith.constant 32 : index
        %get3A_391 = tpu.vector_load %arg8[%get3A_389, %get3A_390] {strides = array<i32>} : memref<200x64xf32, #tpu.memory_space<vmem>>, vector<1x16xf32>,
        %get3A_392 = vector.shape_cast %get3A_391 : vector<1x16xf32> to vector<16xf32>
        %add3A_393 = arith.addf %add3A_369, %get3A_392 : vector<16xf32>
        %get3A_394 = arith.index_cast %add3A_378 : i32 to index
        %get3A_395 = arith.constant 48 : index
        %get3A_396 = tpu.vector_load %arg8[%get3A_394, %get3A_395] {strides = array<i32>} : memref<200x64xf32, #tpu.memory_space<vmem>>, vector<1x16xf32>,
        %get3A_397 = vector.shape_cast %get3A_396 : vector<1x16xf32> to vector<16xf32>
        %add3A_398 = arith.addf %add3A_374, %get3A_397 : vector<16xf32>
        scf.yield %add3A_383, %add3A_388, %add3A_393, %add3A_398 : vector<16xf32>, vector<16xf32>, vector<16xf32>, vector<16xf32>
      }
      %scan3A_94 = arith.constant 25 : i32
      %get3A_95 = arith.index_cast %add3A_61 : i32 to index
      %get3A_96 = tpu.vector_load %arg12[%get3A_95] {strides = array<i32>} : memref<48xf32, #tpu.memory_space<vmem>>, vector<16xf32>,
      %get3A_97 = vector.shape_cast %get3A_96 : vector<16xf32> to vector<16xf32>
      %slice3A = vector.extract_strided_slice %get3A_97 {offsets = [0], sizes = [1], strides = [1]} : vector<16xf32> to vector<1xf32>
      %squeeze3A = vector.extract %slice3A[0] : f32 from vector<1xf32>
      %broadcast_in_dim3A_98 = vector.broadcast %squeeze3A : f32 to vector<16xf32>
      %mul3A_99 = arith.mulf %scan3A_93#0, %broadcast_in_dim3A_98 : vector<16xf32>
      %add3A_100 = arith.addf %mul3A_99, %get3A_23 : vector<16xf32>
      %swap3A_101 = arith.index_cast %add3A_61 : i32 to index
      %swap3A_102 = arith.constant 0 : index
      %swap3A_103 = tpu.vector_load %arg10[%swap3A_101, %swap3A_102] {strides = array<i32>} : memref<32x64xf32, #tpu.memory_space<vmem>>, vector<1x16xf32>,
      %swap3A_104 = vector.shape_cast %swap3A_103 : vector<1x16xf32> to vector<16xf32>
      %swap3A_105 = vector.shape_cast %add3A_100 : vector<16xf32> to vector<1x16xf32>
      tpu.vector_store %arg10[%swap3A_101, %swap3A_102], %swap3A_105 {strides = array<i32>} : memref<32x64xf32, #tpu.memory_space<vmem>>, vector<1x16xf32>,
      %mul3A_106 = arith.mulf %scan3A_93#1, %broadcast_in_dim3A_98 : vector<16xf32>
      %add3A_107 = arith.addf %mul3A_106, %get3A_26 : vector<16xf32>
      %swap3A_108 = arith.index_cast %add3A_61 : i32 to index
      %swap3A_109 = arith.constant 16 : index
      %swap3A_110 = tpu.vector_load %arg10[%swap3A_108, %swap3A_109] {strides = array<i32>} : memref<32x64xf32, #tpu.memory_space<vmem>>, vector<1x16xf32>,
      %swap3A_111 = vector.shape_cast %swap3A_110 : vector<1x16xf32> to vector<16xf32>
      %swap3A_112 = vector.shape_cast %add3A_107 : vector<16xf32> to vector<1x16xf32>
      tpu.vector_store %arg10[%swap3A_108, %swap3A_109], %swap3A_112 {strides = array<i32>} : memref<32x64xf32, #tpu.memory_space<vmem>>, vector<1x16xf32>,
      %mul3A_113 = arith.mulf %scan3A_93#2, %broadcast_in_dim3A_98 : vector<16xf32>
      %add3A_114 = arith.addf %mul3A_113, %get3A_29 : vector<16xf32>
      %swap3A_115 = arith.index_cast %add3A_61 : i32 to index
      %swap3A_116 = arith.constant 32 : index
      %swap3A_117 = tpu.vector_load %arg10[%swap3A_115, %swap3A_116] {strides = array<i32>} : memref<32x64xf32, #tpu.memory_space<vmem>>, vector<1x16xf32>,
      %swap3A_118 = vector.shape_cast %swap3A_117 : vector<1x16xf32> to vector<16xf32>
      %swap3A_119 = vector.shape_cast %add3A_114 : vector<16xf32> to vector<1x16xf32>
      tpu.vector_store %arg10[%swap3A_115, %swap3A_116], %swap3A_119 {strides = array<i32>} : memref<32x64xf32, #tpu.memory_space<vmem>>, vector<1x16xf32>,
      %mul3A_120 = arith.mulf %scan3A_93#3, %broadcast_in_dim3A_98 : vector<16xf32>
      %add3A_121 = arith.addf %mul3A_120, %get3A_32 : vector<16xf32>
      %swap3A_122 = arith.index_cast %add3A_61 : i32 to index
      %swap3A_123 = arith.constant 48 : index
      %swap3A_124 = tpu.vector_load %arg10[%swap3A_122, %swap3A_123] {strides = array<i32>} : memref<32x64xf32, #tpu.memory_space<vmem>>, vector<1x16xf32>,
      %swap3A_125 = vector.shape_cast %swap3A_124 : vector<1x16xf32> to vector<16xf32>
      %swap3A_126 = vector.shape_cast %add3A_121 : vector<16xf32> to vector<1x16xf32>
      tpu.vector_store %arg10[%swap3A_122, %swap3A_123], %swap3A_126 {strides = array<i32>} : memref<32x64xf32, #tpu.memory_space<vmem>>, vector<1x16xf32>,
      %mul3A_127 = arith.constant 2 : i32
      %mul3A_128 = arith.muli %mul3A_127, %scan3A_57 : i32
      %add3A_129 = arith.constant 1 : i32
      %add3A_130 = arith.addi %mul3A_128, %add3A_129 : i32
      %lt3A_131 = arith.constant 31 : i32
      %lt3A_132 = arith.cmpi slt, %add3A_130, %lt3A_131 : i32
      %convert_element_type3A_133 = arith.extui %lt3A_132 : i1 to i32
      %cond3A_134 = arith.constant 0 : i32
      %cond3A_135 = arith.cmpi ne, %convert_element_type3A_133, %cond3A_134 : i32
      scf.if %cond3A_135 {
        %add3A_202 = arith.constant 1 : i32
        %add3A_203 = arith.addi %add3A_130, %add3A_202 : i32
        %dma_start3A_204 = arith.constant 0 : i32
        %dma_start3A_205 = arith.constant 0 : i32
        %dma_start3A_206 = tpu.memref_slice %arg8[%dma_start3A_204, %dma_start3A_205] : memref<200x64xf32, #tpu.memory_space<vmem>> -> memref<128x64xf32, #tpu.memory_space<vmem>>
        %dma_start3A_207 = arith.constant 0 : i32
        %dma_start3A_208 = tpu.memref_slice %arg7[%add3A_203, %dma_start3A_207] : memref<32x200xi32, #tpu.memory_space<vmem>> -> memref<1x128xi32, #tpu.memory_space<vmem>>
        %dma_start3A_209 = tpu.memref_squeeze %dma_start3A_208 : memref<1x128xi32, #tpu.memory_space<vmem>> -> memref<128xi32, #tpu.memory_space<vmem>>
        %dma_start3A_210 = arith.constant 0 : i32
        %dma_start3A_211 = arith.constant 0 : i32
        %dma_start3A_212 = tpu.memref_slice %arg2[%dma_start3A_210, %dma_start3A_211] : memref<114688x64xf32, #tpu.memory_space<hbm>> -> memref<114688x64xf32, #tpu.memory_space<hbm>>
        tpu.enqueue_indirect_dma source(%dma_start3A_212 : memref<114688x64xf32, #tpu.memory_space<hbm>>) target(%dma_start3A_206 : memref<128x64xf32, #tpu.memory_space<vmem>>) offsets(%dma_start3A_209 : memref<128xi32, #tpu.memory_space<vmem>>) semaphore(%arg14 : memref<!tpu.dma_semaphore, #tpu.memory_space<semaphore_mem>>)
        %dma_start3A_213 = arith.constant 128 : i32
        %dma_start3A_214 = arith.constant 0 : i32
        %dma_start3A_215 = tpu.memref_slice %arg8[%dma_start3A_213, %dma_start3A_214] : memref<200x64xf32, #tpu.memory_space<vmem>> -> memref<72x64xf32, #tpu.memory_space<vmem>>
        %dma_start3A_216 = arith.constant 128 : i32
        %dma_start3A_217 = tpu.memref_slice %arg7[%add3A_203, %dma_start3A_216] : memref<32x200xi32, #tpu.memory_space<vmem>> -> memref<1x72xi32, #tpu.memory_space<vmem>>
        %dma_start3A_218 = tpu.memref_squeeze %dma_start3A_217 : memref<1x72xi32, #tpu.memory_space<vmem>> -> memref<72xi32, #tpu.memory_space<vmem>>
        %dma_start3A_219 = arith.constant 0 : i32
        %dma_start3A_220 = arith.constant 0 : i32
        %dma_start3A_221 = tpu.memref_slice %arg2[%dma_start3A_219, %dma_start3A_220] : memref<114688x64xf32, #tpu.memory_space<hbm>> -> memref<114688x64xf32, #tpu.memory_space<hbm>>
        tpu.enqueue_indirect_dma source(%dma_start3A_221 : memref<114688x64xf32, #tpu.memory_space<hbm>>) target(%dma_start3A_215 : memref<72x64xf32, #tpu.memory_space<vmem>>) offsets(%dma_start3A_218 : memref<72xi32, #tpu.memory_space<vmem>>) semaphore(%arg14 : memref<!tpu.dma_semaphore, #tpu.memory_space<semaphore_mem>>)
      } else {
      }
      %dma_wait3A_136 = arith.constant 0 : i32
      %dma_wait3A_137 = arith.constant 0 : i32
      %dma_wait3A_138 = tpu.memref_slice %arg9[%dma_wait3A_136, %dma_wait3A_137] : memref<200x64xf32, #tpu.memory_space<vmem>> -> memref<128x64xf32, #tpu.memory_space<vmem>>
      %dma_wait3A_139 = arith.constant 0 : i32
      %dma_wait3A_140 = tpu.memref_slice %arg7[%add3A_130, %dma_wait3A_139] : memref<32x200xi32, #tpu.memory_space<vmem>> -> memref<1x128xi32, #tpu.memory_space<vmem>>
      %dma_wait3A_141 = tpu.memref_squeeze %dma_wait3A_140 : memref<1x128xi32, #tpu.memory_space<vmem>> -> memref<128xi32, #tpu.memory_space<vmem>>
      %dma_wait3A_142 = arith.constant 0 : i32
      %dma_wait3A_143 = arith.constant 0 : i32
      %dma_wait3A_144 = tpu.memref_slice %arg2[%dma_wait3A_142, %dma_wait3A_143] : memref<114688x64xf32, #tpu.memory_space<hbm>> -> memref<114688x64xf32, #tpu.memory_space<hbm>>
      tpu.wait_indirect_dma semaphore(%arg15 : memref<!tpu.dma_semaphore, #tpu.memory_space<semaphore_mem>>) src(%dma_wait3A_144 : memref<114688x64xf32, #tpu.memory_space<hbm>>) dst(%dma_wait3A_138 : memref<128x64xf32, #tpu.memory_space<vmem>>)
      %dma_wait3A_145 = arith.constant 128 : i32
      %dma_wait3A_146 = arith.constant 0 : i32
      %dma_wait3A_147 = tpu.memref_slice %arg9[%dma_wait3A_145, %dma_wait3A_146] : memref<200x64xf32, #tpu.memory_space<vmem>> -> memref<72x64xf32, #tpu.memory_space<vmem>>
      %dma_wait3A_148 = arith.constant 128 : i32
      %dma_wait3A_149 = tpu.memref_slice %arg7[%add3A_130, %dma_wait3A_148] : memref<32x200xi32, #tpu.memory_space<vmem>> -> memref<1x72xi32, #tpu.memory_space<vmem>>
      %dma_wait3A_150 = tpu.memref_squeeze %dma_wait3A_149 : memref<1x72xi32, #tpu.memory_space<vmem>> -> memref<72xi32, #tpu.memory_space<vmem>>
      %dma_wait3A_151 = arith.constant 0 : i32
      %dma_wait3A_152 = arith.constant 0 : i32
      %dma_wait3A_153 = tpu.memref_slice %arg2[%dma_wait3A_151, %dma_wait3A_152] : memref<114688x64xf32, #tpu.memory_space<hbm>> -> memref<114688x64xf32, #tpu.memory_space<hbm>>
      tpu.wait_indirect_dma semaphore(%arg15 : memref<!tpu.dma_semaphore, #tpu.memory_space<semaphore_mem>>) src(%dma_wait3A_153 : memref<114688x64xf32, #tpu.memory_space<hbm>>) dst(%dma_wait3A_147 : memref<72x64xf32, #tpu.memory_space<vmem>>)
      %broadcast_in_dim3A_154 = arith.constant 0.000000e+00 : f32
      %broadcast_in_dim3A_155 = vector.broadcast %broadcast_in_dim3A_154 : f32 to vector<16xf32>
      %broadcast_in_dim3A_156 = arith.constant 0.000000e+00 : f32
      %broadcast_in_dim3A_157 = vector.broadcast %broadcast_in_dim3A_156 : f32 to vector<16xf32>
      %broadcast_in_dim3A_158 = arith.constant 0.000000e+00 : f32
      %broadcast_in_dim3A_159 = vector.broadcast %broadcast_in_dim3A_158 : f32 to vector<16xf32>
      %broadcast_in_dim3A_160 = arith.constant 0.000000e+00 : f32
      %broadcast_in_dim3A_161 = vector.broadcast %broadcast_in_dim3A_160 : f32 to vector<16xf32>
      %scan3A_162 = arith.constant 0 : i32
      %scan3A_163 = arith.constant 25 : i32
      %scan3A_164 = arith.addi %scan3A_162, %scan3A_163 : i32
      %scan3A_165 = arith.constant 1 : i32
      %scan3A_166:4 = scf.for %scan3A_202 = %scan3A_162 to %scan3A_164 step %scan3A_165 iter_args(%scan3A_203 = %broadcast_in_dim3A_155, %scan3A_204 = %broadcast_in_dim3A_157, %scan3A_205 = %broadcast_in_dim3A_159, %scan3A_206 = %broadcast_in_dim3A_161) -> (vector<16xf32>, vector<16xf32>, vector<16xf32>, vector<16xf32>)  : i32 {
        %mul3A_207 = arith.constant 8 : i32
        %mul3A_208 = arith.muli %scan3A_202, %mul3A_207 : i32
        %add3A_209 = arith.constant 0 : i32
        %add3A_210 = arith.addi %mul3A_208, %add3A_209 : i32
        %get3A_211 = arith.index_cast %add3A_210 : i32 to index
        %get3A_212 = arith.constant 0 : index
        %get3A_213 = tpu.vector_load %arg9[%get3A_211, %get3A_212] {strides = array<i32>} : memref<200x64xf32, #tpu.memory_space<vmem>>, vector<1x16xf32>,
        %get3A_214 = vector.shape_cast %get3A_213 : vector<1x16xf32> to vector<16xf32>
        %add3A_215 = arith.addf %scan3A_203, %get3A_214 : vector<16xf32>
        %get3A_216 = arith.index_cast %add3A_210 : i32 to index
        %get3A_217 = arith.constant 16 : index
        %get3A_218 = tpu.vector_load %arg9[%get3A_216, %get3A_217] {strides = array<i32>} : memref<200x64xf32, #tpu.memory_space<vmem>>, vector<1x16xf32>,
        %get3A_219 = vector.shape_cast %get3A_218 : vector<1x16xf32> to vector<16xf32>
        %add3A_220 = arith.addf %scan3A_204, %get3A_219 : vector<16xf32>
        %get3A_221 = arith.index_cast %add3A_210 : i32 to index
        %get3A_222 = arith.constant 32 : index
        %get3A_223 = tpu.vector_load %arg9[%get3A_221, %get3A_222] {strides = array<i32>} : memref<200x64xf32, #tpu.memory_space<vmem>>, vector<1x16xf32>,
        %get3A_224 = vector.shape_cast %get3A_223 : vector<1x16xf32> to vector<16xf32>
        %add3A_225 = arith.addf %scan3A_205, %get3A_224 : vector<16xf32>
        %get3A_226 = arith.index_cast %add3A_210 : i32 to index
        %get3A_227 = arith.constant 48 : index
        %get3A_228 = tpu.vector_load %arg9[%get3A_226, %get3A_227] {strides = array<i32>} : memref<200x64xf32, #tpu.memory_space<vmem>>, vector<1x16xf32>,
        %get3A_229 = vector.shape_cast %get3A_228 : vector<1x16xf32> to vector<16xf32>
        %add3A_230 = arith.addf %scan3A_206, %get3A_229 : vector<16xf32>
        %mul3A_231 = arith.constant 8 : i32
        %mul3A_232 = arith.muli %scan3A_202, %mul3A_231 : i32
        %add3A_233 = arith.constant 1 : i32
        %add3A_234 = arith.addi %mul3A_232, %add3A_233 : i32
        %get3A_235 = arith.index_cast %add3A_234 : i32 to index
        %get3A_236 = arith.constant 0 : index
        %get3A_237 = tpu.vector_load %arg9[%get3A_235, %get3A_236] {strides = array<i32>} : memref<200x64xf32, #tpu.memory_space<vmem>>, vector<1x16xf32>,
        %get3A_238 = vector.shape_cast %get3A_237 : vector<1x16xf32> to vector<16xf32>
        %add3A_239 = arith.addf %add3A_215, %get3A_238 : vector<16xf32>
        %get3A_240 = arith.index_cast %add3A_234 : i32 to index
        %get3A_241 = arith.constant 16 : index
        %get3A_242 = tpu.vector_load %arg9[%get3A_240, %get3A_241] {strides = array<i32>} : memref<200x64xf32, #tpu.memory_space<vmem>>, vector<1x16xf32>,
        %get3A_243 = vector.shape_cast %get3A_242 : vector<1x16xf32> to vector<16xf32>
        %add3A_244 = arith.addf %add3A_220, %get3A_243 : vector<16xf32>
        %get3A_245 = arith.index_cast %add3A_234 : i32 to index
        %get3A_246 = arith.constant 32 : index
        %get3A_247 = tpu.vector_load %arg9[%get3A_245, %get3A_246] {strides = array<i32>} : memref<200x64xf32, #tpu.memory_space<vmem>>, vector<1x16xf32>,
        %get3A_248 = vector.shape_cast %get3A_247 : vector<1x16xf32> to vector<16xf32>
        %add3A_249 = arith.addf %add3A_225, %get3A_248 : vector<16xf32>
        %get3A_250 = arith.index_cast %add3A_234 : i32 to index
        %get3A_251 = arith.constant 48 : index
        %get3A_252 = tpu.vector_load %arg9[%get3A_250, %get3A_251] {strides = array<i32>} : memref<200x64xf32, #tpu.memory_space<vmem>>, vector<1x16xf32>,
        %get3A_253 = vector.shape_cast %get3A_252 : vector<1x16xf32> to vector<16xf32>
        %add3A_254 = arith.addf %add3A_230, %get3A_253 : vector<16xf32>
        %mul3A_255 = arith.constant 8 : i32
        %mul3A_256 = arith.muli %scan3A_202, %mul3A_255 : i32
        %add3A_257 = arith.constant 2 : i32
        %add3A_258 = arith.addi %mul3A_256, %add3A_257 : i32
        %get3A_259 = arith.index_cast %add3A_258 : i32 to index
        %get3A_260 = arith.constant 0 : index
        %get3A_261 = tpu.vector_load %arg9[%get3A_259, %get3A_260] {strides = array<i32>} : memref<200x64xf32, #tpu.memory_space<vmem>>, vector<1x16xf32>,
        %get3A_262 = vector.shape_cast %get3A_261 : vector<1x16xf32> to vector<16xf32>
        %add3A_263 = arith.addf %add3A_239, %get3A_262 : vector<16xf32>
        %get3A_264 = arith.index_cast %add3A_258 : i32 to index
        %get3A_265 = arith.constant 16 : index
        %get3A_266 = tpu.vector_load %arg9[%get3A_264, %get3A_265] {strides = array<i32>} : memref<200x64xf32, #tpu.memory_space<vmem>>, vector<1x16xf32>,
        %get3A_267 = vector.shape_cast %get3A_266 : vector<1x16xf32> to vector<16xf32>
        %add3A_268 = arith.addf %add3A_244, %get3A_267 : vector<16xf32>
        %get3A_269 = arith.index_cast %add3A_258 : i32 to index
        %get3A_270 = arith.constant 32 : index
        %get3A_271 = tpu.vector_load %arg9[%get3A_269, %get3A_270] {strides = array<i32>} : memref<200x64xf32, #tpu.memory_space<vmem>>, vector<1x16xf32>,
        %get3A_272 = vector.shape_cast %get3A_271 : vector<1x16xf32> to vector<16xf32>
        %add3A_273 = arith.addf %add3A_249, %get3A_272 : vector<16xf32>
        %get3A_274 = arith.index_cast %add3A_258 : i32 to index
        %get3A_275 = arith.constant 48 : index
        %get3A_276 = tpu.vector_load %arg9[%get3A_274, %get3A_275] {strides = array<i32>} : memref<200x64xf32, #tpu.memory_space<vmem>>, vector<1x16xf32>,
        %get3A_277 = vector.shape_cast %get3A_276 : vector<1x16xf32> to vector<16xf32>
        %add3A_278 = arith.addf %add3A_254, %get3A_277 : vector<16xf32>
        %mul3A_279 = arith.constant 8 : i32
        %mul3A_280 = arith.muli %scan3A_202, %mul3A_279 : i32
        %add3A_281 = arith.constant 3 : i32
        %add3A_282 = arith.addi %mul3A_280, %add3A_281 : i32
        %get3A_283 = arith.index_cast %add3A_282 : i32 to index
        %get3A_284 = arith.constant 0 : index
        %get3A_285 = tpu.vector_load %arg9[%get3A_283, %get3A_284] {strides = array<i32>} : memref<200x64xf32, #tpu.memory_space<vmem>>, vector<1x16xf32>,
        %get3A_286 = vector.shape_cast %get3A_285 : vector<1x16xf32> to vector<16xf32>
        %add3A_287 = arith.addf %add3A_263, %get3A_286 : vector<16xf32>
        %get3A_288 = arith.index_cast %add3A_282 : i32 to index
        %get3A_289 = arith.constant 16 : index
        %get3A_290 = tpu.vector_load %arg9[%get3A_288, %get3A_289] {strides = array<i32>} : memref<200x64xf32, #tpu.memory_space<vmem>>, vector<1x16xf32>,
        %get3A_291 = vector.shape_cast %get3A_290 : vector<1x16xf32> to vector<16xf32>
        %add3A_292 = arith.addf %add3A_268, %get3A_291 : vector<16xf32>
        %get3A_293 = arith.index_cast %add3A_282 : i32 to index
        %get3A_294 = arith.constant 32 : index
        %get3A_295 = tpu.vector_load %arg9[%get3A_293, %get3A_294] {strides = array<i32>} : memref<200x64xf32, #tpu.memory_space<vmem>>, vector<1x16xf32>,
        %get3A_296 = vector.shape_cast %get3A_295 : vector<1x16xf32> to vector<16xf32>
        %add3A_297 = arith.addf %add3A_273, %get3A_296 : vector<16xf32>
        %get3A_298 = arith.index_cast %add3A_282 : i32 to index
        %get3A_299 = arith.constant 48 : index
        %get3A_300 = tpu.vector_load %arg9[%get3A_298, %get3A_299] {strides = array<i32>} : memref<200x64xf32, #tpu.memory_space<vmem>>, vector<1x16xf32>,
        %get3A_301 = vector.shape_cast %get3A_300 : vector<1x16xf32> to vector<16xf32>
        %add3A_302 = arith.addf %add3A_278, %get3A_301 : vector<16xf32>
        %mul3A_303 = arith.constant 8 : i32
        %mul3A_304 = arith.muli %scan3A_202, %mul3A_303 : i32
        %add3A_305 = arith.constant 4 : i32
        %add3A_306 = arith.addi %mul3A_304, %add3A_305 : i32
        %get3A_307 = arith.index_cast %add3A_306 : i32 to index
        %get3A_308 = arith.constant 0 : index
        %get3A_309 = tpu.vector_load %arg9[%get3A_307, %get3A_308] {strides = array<i32>} : memref<200x64xf32, #tpu.memory_space<vmem>>, vector<1x16xf32>,
        %get3A_310 = vector.shape_cast %get3A_309 : vector<1x16xf32> to vector<16xf32>
        %add3A_311 = arith.addf %add3A_287, %get3A_310 : vector<16xf32>
        %get3A_312 = arith.index_cast %add3A_306 : i32 to index
        %get3A_313 = arith.constant 16 : index
        %get3A_314 = tpu.vector_load %arg9[%get3A_312, %get3A_313] {strides = array<i32>} : memref<200x64xf32, #tpu.memory_space<vmem>>, vector<1x16xf32>,
        %get3A_315 = vector.shape_cast %get3A_314 : vector<1x16xf32> to vector<16xf32>
        %add3A_316 = arith.addf %add3A_292, %get3A_315 : vector<16xf32>
        %get3A_317 = arith.index_cast %add3A_306 : i32 to index
        %get3A_318 = arith.constant 32 : index
        %get3A_319 = tpu.vector_load %arg9[%get3A_317, %get3A_318] {strides = array<i32>} : memref<200x64xf32, #tpu.memory_space<vmem>>, vector<1x16xf32>,
        %get3A_320 = vector.shape_cast %get3A_319 : vector<1x16xf32> to vector<16xf32>
        %add3A_321 = arith.addf %add3A_297, %get3A_320 : vector<16xf32>
        %get3A_322 = arith.index_cast %add3A_306 : i32 to index
        %get3A_323 = arith.constant 48 : index
        %get3A_324 = tpu.vector_load %arg9[%get3A_322, %get3A_323] {strides = array<i32>} : memref<200x64xf32, #tpu.memory_space<vmem>>, vector<1x16xf32>,
        %get3A_325 = vector.shape_cast %get3A_324 : vector<1x16xf32> to vector<16xf32>
        %add3A_326 = arith.addf %add3A_302, %get3A_325 : vector<16xf32>
        %mul3A_327 = arith.constant 8 : i32
        %mul3A_328 = arith.muli %scan3A_202, %mul3A_327 : i32
        %add3A_329 = arith.constant 5 : i32
        %add3A_330 = arith.addi %mul3A_328, %add3A_329 : i32
        %get3A_331 = arith.index_cast %add3A_330 : i32 to index
        %get3A_332 = arith.constant 0 : index
        %get3A_333 = tpu.vector_load %arg9[%get3A_331, %get3A_332] {strides = array<i32>} : memref<200x64xf32, #tpu.memory_space<vmem>>, vector<1x16xf32>,
        %get3A_334 = vector.shape_cast %get3A_333 : vector<1x16xf32> to vector<16xf32>
        %add3A_335 = arith.addf %add3A_311, %get3A_334 : vector<16xf32>
        %get3A_336 = arith.index_cast %add3A_330 : i32 to index
        %get3A_337 = arith.constant 16 : index
        %get3A_338 = tpu.vector_load %arg9[%get3A_336, %get3A_337] {strides = array<i32>} : memref<200x64xf32, #tpu.memory_space<vmem>>, vector<1x16xf32>,
        %get3A_339 = vector.shape_cast %get3A_338 : vector<1x16xf32> to vector<16xf32>
        %add3A_340 = arith.addf %add3A_316, %get3A_339 : vector<16xf32>
        %get3A_341 = arith.index_cast %add3A_330 : i32 to index
        %get3A_342 = arith.constant 32 : index
        %get3A_343 = tpu.vector_load %arg9[%get3A_341, %get3A_342] {strides = array<i32>} : memref<200x64xf32, #tpu.memory_space<vmem>>, vector<1x16xf32>,
        %get3A_344 = vector.shape_cast %get3A_343 : vector<1x16xf32> to vector<16xf32>
        %add3A_345 = arith.addf %add3A_321, %get3A_344 : vector<16xf32>
        %get3A_346 = arith.index_cast %add3A_330 : i32 to index
        %get3A_347 = arith.constant 48 : index
        %get3A_348 = tpu.vector_load %arg9[%get3A_346, %get3A_347] {strides = array<i32>} : memref<200x64xf32, #tpu.memory_space<vmem>>, vector<1x16xf32>,
        %get3A_349 = vector.shape_cast %get3A_348 : vector<1x16xf32> to vector<16xf32>
        %add3A_350 = arith.addf %add3A_326, %get3A_349 : vector<16xf32>
        %mul3A_351 = arith.constant 8 : i32
        %mul3A_352 = arith.muli %scan3A_202, %mul3A_351 : i32
        %add3A_353 = arith.constant 6 : i32
        %add3A_354 = arith.addi %mul3A_352, %add3A_353 : i32
        %get3A_355 = arith.index_cast %add3A_354 : i32 to index
        %get3A_356 = arith.constant 0 : index
        %get3A_357 = tpu.vector_load %arg9[%get3A_355, %get3A_356] {strides = array<i32>} : memref<200x64xf32, #tpu.memory_space<vmem>>, vector<1x16xf32>,
        %get3A_358 = vector.shape_cast %get3A_357 : vector<1x16xf32> to vector<16xf32>
        %add3A_359 = arith.addf %add3A_335, %get3A_358 : vector<16xf32>
        %get3A_360 = arith.index_cast %add3A_354 : i32 to index
        %get3A_361 = arith.constant 16 : index
        %get3A_362 = tpu.vector_load %arg9[%get3A_360, %get3A_361] {strides = array<i32>} : memref<200x64xf32, #tpu.memory_space<vmem>>, vector<1x16xf32>,
        %get3A_363 = vector.shape_cast %get3A_362 : vector<1x16xf32> to vector<16xf32>
        %add3A_364 = arith.addf %add3A_340, %get3A_363 : vector<16xf32>
        %get3A_365 = arith.index_cast %add3A_354 : i32 to index
        %get3A_366 = arith.constant 32 : index
        %get3A_367 = tpu.vector_load %arg9[%get3A_365, %get3A_366] {strides = array<i32>} : memref<200x64xf32, #tpu.memory_space<vmem>>, vector<1x16xf32>,
        %get3A_368 = vector.shape_cast %get3A_367 : vector<1x16xf32> to vector<16xf32>
        %add3A_369 = arith.addf %add3A_345, %get3A_368 : vector<16xf32>
        %get3A_370 = arith.index_cast %add3A_354 : i32 to index
        %get3A_371 = arith.constant 48 : index
        %get3A_372 = tpu.vector_load %arg9[%get3A_370, %get3A_371] {strides = array<i32>} : memref<200x64xf32, #tpu.memory_space<vmem>>, vector<1x16xf32>,
        %get3A_373 = vector.shape_cast %get3A_372 : vector<1x16xf32> to vector<16xf32>
        %add3A_374 = arith.addf %add3A_350, %get3A_373 : vector<16xf32>
        %mul3A_375 = arith.constant 8 : i32
        %mul3A_376 = arith.muli %scan3A_202, %mul3A_375 : i32
        %add3A_377 = arith.constant 7 : i32
        %add3A_378 = arith.addi %mul3A_376, %add3A_377 : i32
        %get3A_379 = arith.index_cast %add3A_378 : i32 to index
        %get3A_380 = arith.constant 0 : index
        %get3A_381 = tpu.vector_load %arg9[%get3A_379, %get3A_380] {strides = array<i32>} : memref<200x64xf32, #tpu.memory_space<vmem>>, vector<1x16xf32>,
        %get3A_382 = vector.shape_cast %get3A_381 : vector<1x16xf32> to vector<16xf32>
        %add3A_383 = arith.addf %add3A_359, %get3A_382 : vector<16xf32>
        %get3A_384 = arith.index_cast %add3A_378 : i32 to index
        %get3A_385 = arith.constant 16 : index
        %get3A_386 = tpu.vector_load %arg9[%get3A_384, %get3A_385] {strides = array<i32>} : memref<200x64xf32, #tpu.memory_space<vmem>>, vector<1x16xf32>,
        %get3A_387 = vector.shape_cast %get3A_386 : vector<1x16xf32> to vector<16xf32>
        %add3A_388 = arith.addf %add3A_364, %get3A_387 : vector<16xf32>
        %get3A_389 = arith.index_cast %add3A_378 : i32 to index
        %get3A_390 = arith.constant 32 : index
        %get3A_391 = tpu.vector_load %arg9[%get3A_389, %get3A_390] {strides = array<i32>} : memref<200x64xf32, #tpu.memory_space<vmem>>, vector<1x16xf32>,
        %get3A_392 = vector.shape_cast %get3A_391 : vector<1x16xf32> to vector<16xf32>
        %add3A_393 = arith.addf %add3A_369, %get3A_392 : vector<16xf32>
        %get3A_394 = arith.index_cast %add3A_378 : i32 to index
        %get3A_395 = arith.constant 48 : index
        %get3A_396 = tpu.vector_load %arg9[%get3A_394, %get3A_395] {strides = array<i32>} : memref<200x64xf32, #tpu.memory_space<vmem>>, vector<1x16xf32>,
        %get3A_397 = vector.shape_cast %get3A_396 : vector<1x16xf32> to vector<16xf32>
        %add3A_398 = arith.addf %add3A_374, %get3A_397 : vector<16xf32>
        scf.yield %add3A_383, %add3A_388, %add3A_393, %add3A_398 : vector<16xf32>, vector<16xf32>, vector<16xf32>, vector<16xf32>
      }
      %scan3A_167 = arith.constant 25 : i32
      %get3A_168 = arith.index_cast %add3A_130 : i32 to index
      %get3A_169 = tpu.vector_load %arg12[%get3A_168] {strides = array<i32>} : memref<48xf32, #tpu.memory_space<vmem>>, vector<16xf32>,
      %get3A_170 = vector.shape_cast %get3A_169 : vector<16xf32> to vector<16xf32>
      %slice3A_171 = vector.extract_strided_slice %get3A_170 {offsets = [0], sizes = [1], strides = [1]} : vector<16xf32> to vector<1xf32>
      %squeeze3A_172 = vector.extract %slice3A_171[0] : f32 from vector<1xf32>
      %broadcast_in_dim3A_173 = vector.broadcast %squeeze3A_172 : f32 to vector<16xf32>
      %mul3A_174 = arith.mulf %scan3A_166#0, %broadcast_in_dim3A_173 : vector<16xf32>
      %add3A_175 = arith.addf %mul3A_174, %get3A_23 : vector<16xf32>
      %swap3A_176 = arith.index_cast %add3A_130 : i32 to index
      %swap3A_177 = arith.constant 0 : index
      %swap3A_178 = tpu.vector_load %arg10[%swap3A_176, %swap3A_177] {strides = array<i32>} : memref<32x64xf32, #tpu.memory_space<vmem>>, vector<1x16xf32>,
      %swap3A_179 = vector.shape_cast %swap3A_178 : vector<1x16xf32> to vector<16xf32>
      %swap3A_180 = vector.shape_cast %add3A_175 : vector<16xf32> to vector<1x16xf32>
      tpu.vector_store %arg10[%swap3A_176, %swap3A_177], %swap3A_180 {strides = array<i32>} : memref<32x64xf32, #tpu.memory_space<vmem>>, vector<1x16xf32>,
      %mul3A_181 = arith.mulf %scan3A_166#1, %broadcast_in_dim3A_173 : vector<16xf32>
      %add3A_182 = arith.addf %mul3A_181, %get3A_26 : vector<16xf32>
      %swap3A_183 = arith.index_cast %add3A_130 : i32 to index
      %swap3A_184 = arith.constant 16 : index
      %swap3A_185 = tpu.vector_load %arg10[%swap3A_183, %swap3A_184] {strides = array<i32>} : memref<32x64xf32, #tpu.memory_space<vmem>>, vector<1x16xf32>,
      %swap3A_186 = vector.shape_cast %swap3A_185 : vector<1x16xf32> to vector<16xf32>
      %swap3A_187 = vector.shape_cast %add3A_182 : vector<16xf32> to vector<1x16xf32>
      tpu.vector_store %arg10[%swap3A_183, %swap3A_184], %swap3A_187 {strides = array<i32>} : memref<32x64xf32, #tpu.memory_space<vmem>>, vector<1x16xf32>,
      %mul3A_188 = arith.mulf %scan3A_166#2, %broadcast_in_dim3A_173 : vector<16xf32>
      %add3A_189 = arith.addf %mul3A_188, %get3A_29 : vector<16xf32>
      %swap3A_190 = arith.index_cast %add3A_130 : i32 to index
      %swap3A_191 = arith.constant 32 : index
      %swap3A_192 = tpu.vector_load %arg10[%swap3A_190, %swap3A_191] {strides = array<i32>} : memref<32x64xf32, #tpu.memory_space<vmem>>, vector<1x16xf32>,
      %swap3A_193 = vector.shape_cast %swap3A_192 : vector<1x16xf32> to vector<16xf32>
      %swap3A_194 = vector.shape_cast %add3A_189 : vector<16xf32> to vector<1x16xf32>
      tpu.vector_store %arg10[%swap3A_190, %swap3A_191], %swap3A_194 {strides = array<i32>} : memref<32x64xf32, #tpu.memory_space<vmem>>, vector<1x16xf32>,
      %mul3A_195 = arith.mulf %scan3A_166#3, %broadcast_in_dim3A_173 : vector<16xf32>
      %add3A_196 = arith.addf %mul3A_195, %get3A_32 : vector<16xf32>
      %swap3A_197 = arith.index_cast %add3A_130 : i32 to index
      %swap3A_198 = arith.constant 48 : index
      %swap3A_199 = tpu.vector_load %arg10[%swap3A_197, %swap3A_198] {strides = array<i32>} : memref<32x64xf32, #tpu.memory_space<vmem>>, vector<1x16xf32>,
      %swap3A_200 = vector.shape_cast %swap3A_199 : vector<1x16xf32> to vector<16xf32>
      %swap3A_201 = vector.shape_cast %add3A_196 : vector<16xf32> to vector<1x16xf32>
      tpu.vector_store %arg10[%swap3A_197, %swap3A_198], %swap3A_201 {strides = array<i32>} : memref<32x64xf32, #tpu.memory_space<vmem>>, vector<1x16xf32>,
    }
    %scan3A_56 = arith.constant 16 : i32
    "tpu.region"() ({
      %run_scoped3A = tpu.sem_alloc : memref<!tpu.dma_semaphore, #tpu.memory_space<semaphore_mem>>
      %dma_start3A_57 = arith.constant 0 : i32
      %dma_start3A_58 = tpu.memref_slice %arg6[%mul3A_2, %dma_start3A_57] : memref<1024x64xf32, #tpu.memory_space<hbm>> -> memref<32x64xf32, #tpu.memory_space<hbm>>
      %dma_start3A_59 = arith.constant 0 : i32
      %dma_start3A_60 = tpu.memref_slice %arg6[%mul3A_2, %dma_start3A_59] : memref<1024x64xf32, #tpu.memory_space<hbm>> -> memref<32x64xf32, #tpu.memory_space<hbm>>
      tpu.enqueue_dma source(%arg10 : memref<32x64xf32, #tpu.memory_space<vmem>>) target(%dma_start3A_60 : memref<32x64xf32, #tpu.memory_space<hbm>>) target_semaphore(%run_scoped3A : memref<!tpu.dma_semaphore, #tpu.memory_space<semaphore_mem>>)
      %dma_wait3A = arith.constant 0 : i32
      %dma_wait3A_61 = tpu.memref_slice %arg6[%mul3A_2, %dma_wait3A] : memref<1024x64xf32, #tpu.memory_space<hbm>> -> memref<32x64xf32, #tpu.memory_space<hbm>>
      %dma_wait3A_62 = arith.constant 0 : i32
      %dma_wait3A_63 = tpu.memref_slice %arg6[%mul3A_2, %dma_wait3A_62] : memref<1024x64xf32, #tpu.memory_space<hbm>> -> memref<32x64xf32, #tpu.memory_space<hbm>>
      tpu.wait_dma2 semaphore(%run_scoped3A : memref<!tpu.dma_semaphore, #tpu.memory_space<semaphore_mem>>) src(%arg10 : memref<32x64xf32, #tpu.memory_space<vmem>>) dst(%dma_wait3A_63 : memref<32x64xf32, #tpu.memory_space<hbm>>)
      tpu.yield
    }) : () -> ()
    return
  }
}

</mosaic_0001>

<sc_bundles>
// kernel: _bow_logits.3.cloned.1.call-start
scs
__scs_entry_jumppad:
0x0: {  	(pc) =	sbr.rel $0x88, $3  }
0x1: {  	(tag) =	ssettag $0x0;
	lr =	simm.s32 $0x1  }
0x2: {  	[smem:$0x3F9D] =	sst lr;
	_ =	strace $0xD0000000  }
0x3: {  	_ = 	snop  }
0x4: {  	_ = 	snop  }
0x5: {  	_ = 	snop  }
0x6: {  	_ = 	snop  }
0x7: {  	_ = 	snop  }
__scs_overlays_trampoline_lowered:
0x8: {  	[smem:$0x3FAC] =	sst s0  }
0x9: {  	[smem:$0x3FAD] =	sst s1  }
0xa: {  	[smem:$0x3FAE] =	sst s2  }
0xb: {  	[smem:$0x3FAF] =	sst s3  }
0xc: {  	[smem:$0x3FB0] =	sst s4  }
0xd: {  	[smem:$0x3FB1] =	sst s5  }
0xe: {  	[smem:$0x3FB2] =	sst s6  }
0xf: {  	[smem:$0x3FB3] =	sst s7  }
0x10: {  	[smem:$0x3FB4] =	sst s8  }
0x11: {  	[smem:$0x3FB5] =	sst s9;
	s0 =	simm.s32 @!p0 $0x0  }
0x12: {  	s1 =	sld [smem:$0x3F9B];
	s0 =	simm.s32 @p0 $0x1  }
0x13: {  	[smem:$0x3FB6] =	sst s0;
	s0 =	simm.s32 @!p1 $0x0  }
0x14: {  	s2 =	sld [smem:$0x3F9A];
	s0 =	simm.s32 @p1 $0x1  }
0x15: {  	[smem:$0x3FB7] =	sst s0;
	s0 =	simm.s32 @!p2 $0x0  }
0x16: {  	s3 =	sld [smem:$0x3FDB];
	s0 =	simm.s32 @p2 $0x1  }
0x17: {  	s4 =	simm.s32 $0x1BF5;
	[smem:$0x3FB9] =	sst s0  }
0x18: {  	s0 =	sld [smem:$0x3F9C];
	_ =	swait.ge [sflag:s4], $0x0  }
0x19: {  	s7 =	sld [smem:$0x3F9D]  }
0x1a: {  	s8 =	sadd.s32 $0xFFFFE003, lr  }
0x1b: {  	s9 =	sadd.s32 $0xFFFFFEF7, lr;
	s5 =	simm.s32 $0xFFFFFFFF;
	p2 =	slt.u32 s8, $0xFFFFF086  }
0x1c: {  	p1 =	slt.u32 s9, $0xF7A;
	s5 =	simm.s32 @!p2 $0x0  }
0x1d: {  	s5 =	simm.s32 @p1 $0x1;
	p0 =	seq.s32 s7, s2  }
0x1e: {  	s7 =	smul.u32 @!p0 $0xF7A, s2;
	p2 =	seq.s32 @!p0 s5, $0x0  }
0x1f: {  	s9 =	smul.u32 $0xF7A, s1;
	s8 =	simm.s32 @!p0 $0x1BF5;
	p2 =	por !p2, p0  }
0x20: {  	[sflag:s8] =	ssyncset.s32 @!p0 $0xFFFFF086;
	s6 =	sadd.s32 @!p0 s3, s7;
	s7 =	simm.s32 @!p0 $0x108  }
0x21: {  	s3 =	sadd.s32 s3, s9;
	s6 =	sadd.s32 @!p0 $0x88, s6;
	s7 =	simm.s32 @p2 $0x1082  }
0x22: {  	[simem:s7], [sflag:s8] =	dma.local @!p0 [hbm:s6], $0xF7A  }
0x23: {  	s9 =	sor.u32 $0xD0000000, s2;
	s6 =	simm.s32 $0x108;
	_ =	swait.ge @!p0 [sflag:s8], $0x0  }
0x24: {  	s3 =	sadd.s32 $0x88, s3;
	s6 =	simm.s32 @!p1 $0x1082;
	[sflag:s4] =	ssyncset.s32 $0xFFFFF086  }
0x25: {  	[simem:s6], [sflag:s4] =	dma.local [hbm:s3], $0xF7A  }
0x26: {  	[smem:$0x3F9D] =	sst s1;
	(tag) =	ssettag s2;
	_ =	strace s9  }
0x27: {  	s1 =	sld [smem:$0x3FAD]  }
0x28: {  	s2 =	sld [smem:$0x3FAE]  }
0x29: {  	s4 =	sld [smem:$0x3FB0]  }
0x2a: {  	p0 =	seq.s32 s5, $0x0;
	s5 =	sld [smem:$0x3FB1]  }
0x2b: {  	s6 =	sld [smem:$0x3FB2]  }
0x2c: {  	s7 =	sld [smem:$0x3FB3]  }
0x2d: {  	s3 =	simm.s32 $0x108;
	s8 =	sld [smem:$0x3FB4]  }
0x2e: {  	s3 =	simm.s32 @!p0 $0x1082;
	s9 =	sld [smem:$0x3FB5]  }
0x2f: {  	lr =	sadd.s32 s0, s3;
	s0 =	sld [smem:$0x3FAC]  }
0x30: {  	s3 =	sld [smem:$0x3FAF]  }
0x31: {  	[smem:$0x3FB8] =	sst s10  }
0x32: {  	s10 =	sld [smem:$0x3FB6];
	_ =	sdelay $0x3  }
0x33: {  	p0 =	seq.s32 s10, $0x1;
	s10 =	sld [smem:$0x3FB8];
	_ =	sdelay $0x3  }
0x34: {  	[smem:$0x3FB8] =	sst s10  }
0x35: {  	s10 =	sld [smem:$0x3FB7];
	_ =	sdelay $0x3  }
0x36: {  	p1 =	seq.s32 s10, $0x1;
	s10 =	sld [smem:$0x3FB8];
	_ =	sdelay $0x3  }
0x37: {  	[smem:$0x3FB8] =	sst s10  }
0x38: {  	s10 =	sld [smem:$0x3FB9]  }
0x39: {  	_ = 	snop;
	(pc) =	sbr.ind lr, $3  }
0x3a: {  	_ = 	snop  }
0x3b: {  	_ = 	snop  }
0x3c: {  	p2 =	seq.s32 s10, $0x1;
	s10 =	sld [smem:$0x3FB8]  }
0x3d: {  	_ =	shalt  }
0x3e: {  	_ =	shalt  }
0x3f: {  	_ =	shalt  }
0x40: {  	_ =	shalt  }
0x41: {  	_ =	shalt  }
0x42: {  	_ =	shalt  }
0x43: {  	_ =	shalt  }
0x44: {  	_ =	shalt  }
0x45: {  	_ =	shalt  }
0x46: {  	_ =	shalt  }
0x47: {  	_ =	shalt  }
0x48: {  	_ =	shalt  }
0x49: {  	_ =	shalt  }
0x4a: {  	_ =	shalt  }
0x4b: {  	_ =	shalt  }
0x4c: {  	_ =	shalt  }
0x4d: {  	_ =	shalt  }
0x4e: {  	_ =	shalt  }
0x4f: {  	_ =	shalt  }
0x50: {  	_ =	shalt  }
0x51: {  	_ =	shalt  }
0x52: {  	_ =	shalt  }
0x53: {  	_ =	shalt  }
0x54: {  	_ =	shalt  }
0x55: {  	_ =	shalt  }
0x56: {  	_ =	shalt  }
0x57: {  	_ =	shalt  }
0x58: {  	_ =	shalt  }
0x59: {  	_ =	shalt  }
0x5a: {  	_ =	shalt  }
0x5b: {  	_ =	shalt  }
0x5c: {  	_ =	shalt  }
0x5d: {  	_ =	shalt  }
0x5e: {  	_ =	shalt  }
0x5f: {  	_ =	shalt  }
0x60: {  	_ =	shalt  }
0x61: {  	_ =	shalt  }
0x62: {  	_ =	shalt  }
0x63: {  	_ =	shalt  }
0x64: {  	_ =	shalt  }
0x65: {  	_ =	shalt  }
0x66: {  	_ =	shalt  }
0x67: {  	_ =	shalt  }
0x68: {  	_ =	shalt  }
0x69: {  	_ =	shalt  }
0x6a: {  	_ =	shalt  }
0x6b: {  	_ =	shalt  }
0x6c: {  	_ =	shalt  }
0x6d: {  	_ =	shalt  }
0x6e: {  	_ =	shalt  }
0x6f: {  	_ =	shalt  }
0x70: {  	_ =	shalt  }
0x71: {  	_ =	shalt  }
0x72: {  	_ =	shalt  }
0x73: {  	_ =	shalt  }
0x74: {  	_ =	shalt  }
0x75: {  	_ =	shalt  }
0x76: {  	_ =	shalt  }
0x77: {  	_ =	shalt  }
0x78: {  	_ =	shalt  }
0x79: {  	_ =	shalt  }
0x7a: {  	_ =	shalt  }
0x7b: {  	_ =	shalt  }
0x7c: {  	_ =	shalt  }
0x7d: {  	_ =	shalt  }
0x7e: {  	_ =	shalt  }
0x7f: {  	_ =	shalt  }
0x80: {  	_ =	shalt  }
0x81: {  	_ =	shalt  }
0x82: {  	_ =	shalt  }
0x83: {  	_ =	shalt  }
0x84: {  	_ =	shalt  }
0x85: {  	_ =	shalt  }
0x86: {  	_ =	shalt  }
0x87: {  	_ =	shalt  }
.Lfunc_end0:
.L_simem_size_0:
called_computation_lowered:
.L_overlay_start_0:
0x88: {  	s2 =	sld [smem:$0x3FD9]  }
0x89: {  	s3 =	sld [smem:$0x3FFE];
	_ =	sdelay $0x1  }
0x8a: {  	s1 =	srdreg.scid  }
0x8b: {  	s0 =	sand.u32 $0x1, s1  }
0x8c: {  	s17 =	sshll.u32 s0, $0xA;
	s2 =	sadd.s32 s3, s2  }
0x8d: {  	s2 =	sadd.s32 s2, s17  }
0x8e: {  	[smem:$0x3FC4] =	sst s2  }
0x8f: {  	_ = 	snop  }
0x90: {  	s2 =	sld [smem:$0x3FC7]  }
0x91: {  	s18 =	sld [smem:$0x3FC6]  }
0x92: {  	s4 =	sld [smem:$0x3FD0];
	(tm) =	ssettm $0x1  }
0x93: {  	s5 =	sld [smem:$0x3FFB];
	_ =	sdelay $0x3  }
0x94: {  	_ =	strace s5  }
0x95: {  	s5 =	sld [smem:$0x3FFC];
	_ =	sdelay $0x3  }
0x96: {  	_ =	strace s5  }
0x97: {  	s5 =	sld [smem:$0x3FFD];
	_ =	sdelay $0x3  }
0x98: {  	_ =	strace s5  }
0x99: {  	_ =	strace $0x8FFFFFFF  }
0x9a: {  	s19 =	sld [smem:$0x3FDB];
	_ =	sdelay $0x1  }
0x9b: {  	s6 =	simm.s32 $_scs_section_size  }
0x9c: {  	s7 =	simm.s32 $_size__tile_overlayer_lowered;
	s8 =	simm.s32 $_tile_overlayer_lowered  }
0x9d: {  	s22 =	simm.s32 $0x1BFF;
	s21 =	sshll.u32 s8, $0x1;
	s5 =	sadd.s32 s6, s19  }
0x9e: {  	s9 =	simm.s32 $0x0;
	s20 =	sshll.u32 s7, $0x1;
	s7 =	sadd.s32 s21, s5  }
0x9f: {  	[timem:s9], [sflag:s22] =	dma.local [hbm:s7], s20  }
0xa0: {  	_ =	swait.ge [sflag:s22], s20  }
0xa1: {  	s6 =	ssub.s32 $0x0, s20;
	[sflag:s22] =	ssyncset.done $0x0  }
0xa2: {  	[sflag:s22] =	ssyncadd.s32 s6;
	_ =	sdelay $0x1  }
0xa3: {  	s23 =	simm.s32 $0x1B8B  }
0xa4: {  	_ =	swait.ge [sflag:s23], $0x1  }
0xa5: {  	[sflag:s23] =	ssyncset.done $0x0  }
0xa6: {  	s25 =	simm.s32 $0x1B8E;
	s24 =	sld [smem:$0x3FFE];
	[sflag:s23] =	ssyncadd.s32 $0xFFFFFFFF  }
0xa7: {  	s26 =	simm.s32 $execute0_lowered;
	[smem:$0x3FD2] =	sst s25  }
0xa8: {  	s7 =	sshll.u32 s26, $0x1;
	_ =	strace $0x80000046;
	[dreg:$0x1] =	wrdreg $0xFFFFFFFF  }
0xa9: {  	s28 =	simm.s32 $_size_execute0_lowered;
	s5 =	sadd.s32 s5, s7;
	[dreg:$0x0] =	wrdreg $0x0  }
0xaa: {  	s7 =	sshll.u32 s28, $0x1;
	[dreg:$0x2] =	wrdreg s5  }
0xab: {  	[dreg:$0x3] =	wrdreg s7  }
0xac: {  	[dreg:$0x4] =	wrdreg $0xC0  }
0xad: {  	_ =	task [dreg:s9], $0x5FFFF  }
0xae: {  	[dreg:$0x1] =	wrdreg $0xFFFFFFFF  }
0xaf: {  	[dreg:$0x0] =	wrdreg $0x60  }
0xb0: {  	[dreg:$0x2] =	wrdreg s24  }
0xb1: {  	[dreg:$0x3] =	wrdreg s2  }
0xb2: {  	[dreg:$0x4] =	wrdreg s18  }
0xb3: {  	[dreg:$0x5] =	wrdreg s4  }
0xb4: {  	[dreg:$0x6] =	wrdreg $0x9  }
0xb5: {  	_ =	task.clear_ibuf [dreg:s9], $0x7FFFF;
	_ =	strace $0x90000046  }
0xb6: {  	s29 =	simm.s32 $0x9;
	_ =	strace $0x80000048  }
0xb7: {  	_ =	swait.ge [sflag:s29], $0x1  }
0xb8: {  	[sflag:s29] =	ssyncadd.s32 $0xFFFFFFFF  }
0xb9: {  	_ =	strace $0x90000048  }
0xba: {  	_ =	sfence  }
0xbb: {  	s30 =	sld [smem:$0x0];
	_ =	sdelay $0x2  }
0xbc: {  	s31 =	sshll.u32 s1, $0xD;
	s1 =	sshrl.u32 s1, $0x2  }
0xbd: {  	s3 =	sand.u32 $0x4000, s31;
	s1 =	sadd.s32 s1, s30  }
0xbe: {  	s0 =	sor.u32 s3, s0;
	s1 =	sshll.u32 s1, $0x11  }
0xbf: {  	s0 =	sor.u32 s1, s0  }
0xc0: {  	s0 =	sadd.s32 $0x8F2B, s0  }
0xc1: {  	[sflag:s0] =	ssyncadd.remote.s32 $0x1  }
0xc2: {  	_ =	sfence.sel $0xFFFF  }
0xc3: {  	[dreg:$0x0] =	wrdreg $0xFFFFFFFF;
	(pc) =	sbr.abs _section_cstart, $3  }
0xc4: {  	[dreg:$0x1] =	wrdreg $0xFFFFFFFF  }
0xc5: {  	_ =	task.clear_ibuf [dreg:s9], $0x2FFFF;
	_ =	strace $0x9FFFFFFF  }
0xc6: {  	(tm) =	ssettm $0x7FFFFFFF  }
0xc7: {  	_ =	shalt  }
tec
execute0_lowered:
.L_overlay_start_1:
0x0: {  	(tag) =	ssettag $0x1  }
0x1: {  	s5 =	rddreg [dreg:$0x0]  }
0x2: {  	s6 =	rddreg [dreg:$0x1]  }
0x3: {  	s1 =	srdreg.scid;
	s2 =	rddreg [dreg:$0x2]  }
0x4: {  	s0 =	stileid.u32;
	s7 =	rddreg [dreg:$0x3]  }
0x5: {  	s3 =	simm.s32 $0x0;
	s12 =	simm.s32 $0x80;
	s13 =	simm.s32 $0x1900  }
0x6: {  	s14 =	simm.s32 $0x48;
	s15 =	simm.s32 $0x3900;
	s16 =	simm.s32 $0x4B00  }
0x7: {  	s17 =	simm.s32 $0x6B00;
	s18 =	simm.s32 $0x1;
	s19 =	simm.s32 $0x2  }
0x8: {  	s20 =	simm.s32 $0x7D00;
	s4 =	sand.u32 $0x1, s1;
	s1 =	rddreg [dreg:$0x4]  }
0x9: {  	s21 =	simm.s32 $0x0;
	s8 =	sshll.u32 s0, $0x6;
	[smem:$0x7FF] =	sst s3  }
0xa: {  	s9 =	sshll.u32 s4, $0x5;
	s10 =	ssub.s32 $0x2, s4;
	_ =	strace $0x80000047  }
0xb: {  	s4 =	sadd.s32 $0x1C0600, s5;
	s8 =	sor.u32 s9, s8;
	s11 =	sshrl.u32 s10, $0x1  }
0xc: {  	s9 =	smul.u32 $0x19, s8;
	s30 =	ssub.s32 s10, s11;
	s31 =	sshrl.u32 s8, $0x3  }
0xd: {  	s8 =	sshll.u32 s8, $0x3;
	s10 =	simm.s32 $0x8500;
	s11 =	simm.s32 $0x8550  }
0xe: {  	s6 =	sadd.s32 s6, s31;
	s7 =	sadd.s32 s7, s8;
	s5 =	sadd.s32 s9, s5  }
0xf: {  	s8 =	smax.u32 s30, $0x1;
	s9 =	simm.s32 $0x3;
	s5 =	sadd.s32 $0x600, s5  }
.LBB2_1:
0x10: {  	[tilespmem:s3], [sflag:$0x3] =	stream.linear.gather [hbm4b:s5+s3], $0x1900, $0x38;
	[tilespmem:$0x8590] =	vst v63  }
0x11: {  	_ =	swait.ge [sflag:s9], $0x1900  }
0x12: {  	[sflag:s9] =	ssyncset.done $0x0  }
0x13: {  	[sflag:s9] =	ssyncadd.s32 $0xFFFFE700  }
0x14: {  	[tilespmem:s10], [sflag:$0x3] =	stream.linear.gather [hbm4b:s6+s3], $0x20, $0x38;
	[tilespmem:$0x8590] =	vst v63  }
0x15: {  	_ =	swait.ge [sflag:s9], $0x20  }
0x16: {  	[sflag:s9] =	ssyncset.done $0x0  }
0x17: {  	[sflag:s9] =	ssyncadd.s32 $0xFFFFFFE0  }
0x18: {  	[tilespmem:s11], [sflag:$0x3] =	stream.linear.gather [hbm4b:s2+s3], $0x40, $0x38;
	[tilespmem:$0x8590] =	vst v63  }
0x19: {  	_ =	swait.ge [sflag:s9], $0x40  }
0x1a: {  	[sflag:s9] =	ssyncset.done $0x0  }
0x1b: {  	[sflag:s9] =	ssyncadd.s32 $0xFFFFFFC0  }
0x1c: {  	v0 =	vld [tilespmem:$0x8500]  }
0x1d: {  	v1 =	vld [tilespmem:$0x8510];
	_ =	sdelay $0x3  }
0x1e: {  	v0 =	vcvt.s32.f32 v0  }
0x1f: {  	v1 =	vcvt.s32.f32 v1  }
0x20: {  	(erf) = vrcp.f32 v0  }
0x21: {  	(erf) = vrcp.f32 v1;
	_ =	sdelay $0x7  }
0x22: {  	v0 =	vld [tilespmem:$0x8550];
	v2 =	vpop (erf)  }
0x23: {  	v1 =	vld [tilespmem:$0x8560];
	[tilespmem:$0x8520] =	vst v2;
	v3 =	vpop (erf)  }
0x24: {  	v2 =	vld [tilespmem:$0x8570];
	[tilespmem:$0x8530] =	vst v3  }
0x25: {  	v3 =	vld [tilespmem:$0x8580];
	[tilespmem:s13], [sflag:$0x1] =	stream.indirect.gather [hbm4b:s4+s12], $0x40, s3, s12, $0xb8  }
0x26: {  	s22 =	simm.s32 $0x0  }
0x27: {  	[tilespmem:s15], [sflag:$0x1] =	stream.indirect.gather [hbm4b:s4+s14], $0x40, s12, s14, $0xb8;
	[tilespmem:$0x8590] =	vst v63  }
.LBB2_2:
0x28: {  	s23 =	smul.u32 $0x640, s22;
	_ =	sdelay $0x1  }
0x29: {  	s24 =	sshra.s32 s23, $0x2  }
0x2a: {  	s23 =	sadd.s32 $0xC8, s24  }
0x2b: {  	[tilespmem:s16], [sflag:$0x2] =	stream.indirect.gather [hbm4b:s4+s12], $0x40, s23, s12, $0xb8;
	[tilespmem:$0x8590] =	vst v63  }
0x2c: {  	s31 =	sadd.s32 $0x148, s24  }
0x2d: {  	[tilespmem:s17], [sflag:$0x2] =	stream.indirect.gather [hbm4b:s4+s14], $0x40, s31, s14, $0xb8;
	[tilespmem:$0x8590] =	vst v63  }
0x2e: {  	_ =	swait.ge [sflag:s18], $0x2000  }
0x2f: {  	[sflag:s18] =	ssyncset.done $0x0  }
0x30: {  	[sflag:s18] =	ssyncadd.s32 $0xFFFFE000  }
0x31: {  	_ =	swait.ge [sflag:s18], $0x1200  }
0x32: {  	[sflag:s18] =	ssyncset.done $0x0  }
0x33: {  	s25 =	simm.s32 $0x0;
	[sflag:s18] =	ssyncadd.s32 $0xFFFFEE00  }
0x34: {  	v4 =	vld [tilespmem:s25+$0x1AC0]  }
0x35: {  	v5 =	vld [tilespmem:s25+$0x1AD0]  }
0x36: {  	v6 =	vld [tilespmem:s25+$0x1A80]  }
0x37: {  	v7 =	vld [tilespmem:s25+$0x1A90]  }
0x38: {  	v8 =	vld [tilespmem:s25+$0x1A40]  }
0x39: {  	v9 =	vld [tilespmem:s25+$0x1A50]  }
0x3a: {  	v10 =	vld [tilespmem:s25+$0x1A00]  }
0x3b: {  	v11 =	vld [tilespmem:s25+$0x1A10]  }
0x3c: {  	v12 =	vld [tilespmem:s25+$0x19C0]  }
0x3d: {  	v13 =	vld [tilespmem:s25+$0x19D0]  }
0x3e: {  	v14 =	vld [tilespmem:s25+$0x1980]  }
0x3f: {  	v15 =	vld [tilespmem:s25+$0x1990]  }
0x40: {  	v20 =	vld [tilespmem:s25+$0x1940]  }
0x41: {  	v21 =	vld [tilespmem:s25+$0x1950]  }
0x42: {  	v22 =	vld [tilespmem:s25+$0x1900]  }
0x43: {  	v16 =	vimm.f32 $0.0e+00;
	v24 =	vld [tilespmem:s25+$0x1910]  }
0x44: {  	v19 =	vimm.f32 $0.0e+00;
	v18 =	vimm.f32 $0.0e+00;
	v17 =	vimm.f32 $0.0e+00;
	s23 =	simm.s32 $0x800;
	v23 =	vld [tilespmem:s25+$0x1920]  }
.LBB2_3:
0x45: {  	p0 =	sne.s32 s23, $0xC000;
	v25 =	vld [tilespmem:s25+$0x1930]  }
0x46: {  	v26 =	vld [tilespmem:s25+$0x1960]  }
0x47: {  	v27 =	vld [tilespmem:s25+$0x1970]  }
0x48: {  	v28 =	vld [tilespmem:s25+$0x19A0]  }
0x49: {  	v16 =	vadd.f32 v22, v16;
	v19 =	vadd.f32 v24, v19;
	v22 =	vld [tilespmem:s25+$0x19B0]  }
0x4a: {  	v18 =	vadd.f32 v23, v18;
	v17 =	vadd.f32 v25, v17;
	v23 =	vld [tilespmem:s25+$0x19E0]  }
0x4b: {  	v16 =	vadd.f32 v20, v16;
	v19 =	vadd.f32 v21, v19;
	v20 =	vld [tilespmem:s25+$0x19F0]  }
0x4c: {  	v18 =	vadd.f32 v26, v18;
	v17 =	vadd.f32 v27, v17;
	v21 =	vld [tilespmem:s25+$0x1A20]  }
0x4d: {  	v14 =	vadd.f32 v14, v16;
	v15 =	vadd.f32 v15, v19;
	v16 =	vld [tilespmem:s25+$0x1A30]  }
0x4e: {  	v18 =	vadd.f32 v28, v18;
	v17 =	vadd.f32 v22, v17;
	v19 =	vld [tilespmem:s25+$0x1A60]  }
0x4f: {  	v12 =	vadd.f32 v12, v14;
	v13 =	vadd.f32 v13, v15;
	v14 =	vld [tilespmem:s25+$0x1A70]  }
0x50: {  	v15 =	vadd.f32 v23, v18;
	v17 =	vadd.f32 v20, v17;
	v18 =	vld [tilespmem:s25+$0x1AA0]  }
0x51: {  	v10 =	vadd.f32 v10, v12;
	v11 =	vadd.f32 v11, v13;
	v12 =	vld [tilespmem:s25+$0x1AB0]  }
0x52: {  	v13 =	vadd.f32 v21, v15;
	v15 =	vadd.f32 v16, v17;
	v17 =	vld [tilespmem:s25+$0x1AE0]  }
0x53: {  	v8 =	vadd.f32 v8, v10;
	v9 =	vadd.f32 v9, v11;
	v10 =	vld [tilespmem:s25+$0x1AF0];
	s25 =	sshra.s32 s23, $0x2  }
0x54: {  	v13 =	vadd.f32 v19, v13;
	v11 =	vld [tilespmem:s25+$0x1AC0];
	v14 =	vadd.f32 v14, v15  }
0x55: {  	v8 =	vadd.f32 v6, v8;
	v9 =	vadd.f32 v7, v9;
	v15 =	vld [tilespmem:s25+$0x1AD0]  }
0x56: {  	v13 =	vadd.f32 v18, v13;
	v6 =	vld [tilespmem:s25+$0x1A80];
	v12 =	vadd.f32 v12, v14  }
0x57: {  	v16 =	vadd.f32 v4, v8;
	v19 =	vadd.f32 v5, v9;
	v7 =	vld [tilespmem:s25+$0x1A90]  }
0x58: {  	v18 =	vadd.f32 v17, v13;
	v8 =	vld [tilespmem:s25+$0x1A40];
	v17 =	vadd.f32 v10, v12  }
0x59: {  	v9 =	vld [tilespmem:s25+$0x1A50];
	v4 =	vmov v11  }
0x5a: {  	v10 =	vld [tilespmem:s25+$0x1A00];
	v5 =	vmov v15  }
0x5b: {  	v11 =	vld [tilespmem:s25+$0x1A10]  }
0x5c: {  	v12 =	vld [tilespmem:s25+$0x19C0]  }
0x5d: {  	v13 =	vld [tilespmem:s25+$0x19D0]  }
0x5e: {  	v14 =	vld [tilespmem:s25+$0x1980]  }
0x5f: {  	v15 =	vld [tilespmem:s25+$0x1990]  }
.Ltmp0:
0x60: {  	v20 =	vld [tilespmem:s25+$0x1940];
	(pc) =	sbr.rel @p0 .LBB2_3-.Ltmp0, $4  }
0x61: {  	v21 =	vld [tilespmem:s25+$0x1950]  }
0x62: {  	v22 =	vld [tilespmem:s25+$0x1900]  }
0x63: {  	v24 =	vld [tilespmem:s25+$0x1910]  }
0x64: {  	s23 =	sadd.s32 $0x800, s23;
	v23 =	vld [tilespmem:s25+$0x1920]  }
0x65: {  	v25 =	vld [tilespmem:s25+$0x1930]  }
0x66: {  	v26 =	vld [tilespmem:s25+$0x1960]  }
0x67: {  	v27 =	vld [tilespmem:s25+$0x1970]  }
0x68: {  	v28 =	vld [tilespmem:s25+$0x19A0];
	v16 =	vadd.f32 v22, v16  }
0x69: {  	v22 =	vld [tilespmem:s25+$0x19B0];
	v19 =	vadd.f32 v24, v19  }
0x6a: {  	v18 =	vadd.f32 v23, v18;
	v23 =	vld [tilespmem:s25+$0x19E0];
	v16 =	vadd.f32 v20, v16  }
0x6b: {  	v20 =	vld [tilespmem:s25+$0x19F0];
	v17 =	vadd.f32 v25, v17;
	v19 =	vadd.f32 v21, v19  }
0x6c: {  	v21 =	vld [tilespmem:s25+$0x1A20];
	v18 =	vadd.f32 v26, v18;
	v14 =	vadd.f32 v14, v16  }
0x6d: {  	v16 =	vadd.f32 v27, v17;
	v15 =	vadd.f32 v15, v19;
	v17 =	vld [tilespmem:s25+$0x1A30]  }
0x6e: {  	v19 =	vld [tilespmem:s25+$0x1A60];
	v18 =	vadd.f32 v28, v18;
	v12 =	vadd.f32 v12, v14  }
0x6f: {  	v14 =	vadd.f32 v22, v16;
	v13 =	vadd.f32 v13, v15;
	v15 =	vld [tilespmem:s25+$0x1A70]  }
0x70: {  	v16 =	vadd.f32 v23, v18;
	v18 =	vld [tilespmem:s25+$0x1AA0];
	v10 =	vadd.f32 v10, v12  }
0x71: {  	v12 =	vadd.f32 v20, v14;
	v11 =	vadd.f32 v11, v13;
	v13 =	vld [tilespmem:s25+$0x1AB0]  }
0x72: {  	s23 =	sshll.u32 s22, $0x1;
	v14 =	vadd.f32 v21, v16;
	v16 =	vld [tilespmem:s25+$0x1AE0];
	v8 =	vadd.f32 v8, v10  }
0x73: {  	v10 =	vadd.f32 v17, v12;
	v9 =	vadd.f32 v9, v11;
	v11 =	vld.msk [tilespmem:s23+$0x8520 ss:$0x0], $0xffff  }
0x74: {  	v12 =	vld [tilespmem:s25+$0x1AF0];
	v14 =	vadd.f32 v19, v14;
	v6 =	vadd.f32 v6, v8  }
0x75: {  	v8 =	vadd.f32 v15, v10;
	v7 =	vadd.f32 v7, v9  }
0x76: {  	v9 =	vadd.f32 v18, v14;
	v4 =	vadd.f32 v4, v6  }
0x77: {  	v6 =	vadd.f32 v13, v8;
	v5 =	vadd.f32 v5, v7  }
0x78: {  	v7 =	vadd.f32 v16, v9;
	v4 =	vmul.f32 v11, v4  }
0x79: {  	v6 =	vadd.f32 v12, v6;
	v5 =	vmul.f32 v11, v5  }
0x7a: {  	s31 =	sshll.u32 s22, $0x7;
	v4 =	vadd.f32 v4, v0;
	v7 =	vmul.f32 v11, v7  }
0x7b: {  	s26 =	sand.u32 $0x3FFFFF80, s31;
	v5 =	vadd.f32 v5, v1;
	v6 =	vmul.f32 v11, v6  }
0x7c: {  	[tilespmem:s26+$0x7D00] =	vst v4;
	v4 =	vadd.f32 v7, v2  }
0x7d: {  	s25 =	sshllo.u32 s22, $0x1;
	[tilespmem:s26+$0x7D10] =	vst v5;
	v5 =	vadd.f32 v6, v3  }
0x7e: {  	p0 =	sgt.u32 s25, $0x1E;
	[tilespmem:s26+$0x7D20] =	vst v4  }
0x7f: {  	s28 =	simm.s32 @!p0 $0x80;
	s29 =	simm.s32 @!p0 $0x1900;
	[tilespmem:s26+$0x7D30] =	vst v5;
	s26 =	sadd.s32 @!p0 $0x190, s24  }
0x80: {  	[tilespmem:s29], [sflag:$0x1] =	stream.indirect.gather @!p0 [hbm4b:s4+s28], $0x40, s26, s28, $0xb8;
	[tilespmem:$0x8590] =	vst v63  }
0x81: {  	s24 =	sadd.s32 @!p0 $0x210, s24;
	s26 =	simm.s32 @!p0 $0x48;
	s28 =	simm.s32 @!p0 $0x3900  }
0x82: {  	[tilespmem:s28], [sflag:$0x1] =	stream.indirect.gather @!p0 [hbm4b:s4+s26], $0x40, s24, s26, $0xb8;
	[tilespmem:$0x8590] =	vst v63  }
0x83: {  	_ =	swait.ge [sflag:s19], $0x2000  }
0x84: {  	[sflag:s19] =	ssyncset.done $0x0  }
0x85: {  	[sflag:s19] =	ssyncadd.s32 $0xFFFFE000  }
0x86: {  	_ =	swait.ge [sflag:s19], $0x1200  }
0x87: {  	[sflag:s19] =	ssyncset.done $0x0  }
0x88: {  	s24 =	simm.s32 $0x0;
	[sflag:s19] =	ssyncadd.s32 $0xFFFFEE00  }
0x89: {  	v4 =	vld [tilespmem:s24+$0x4CC0]  }
0x8a: {  	v5 =	vld [tilespmem:s24+$0x4CD0]  }
0x8b: {  	v6 =	vld [tilespmem:s24+$0x4C80]  }
0x8c: {  	v7 =	vld [tilespmem:s24+$0x4C90]  }
0x8d: {  	v8 =	vld [tilespmem:s24+$0x4C40]  }
0x8e: {  	v9 =	vld [tilespmem:s24+$0x4C50]  }
0x8f: {  	v10 =	vld [tilespmem:s24+$0x4C00]  }
0x90: {  	v11 =	vld [tilespmem:s24+$0x4C10]  }
0x91: {  	v12 =	vld [tilespmem:s24+$0x4BC0]  }
0x92: {  	v13 =	vld [tilespmem:s24+$0x4BD0]  }
0x93: {  	v14 =	vld [tilespmem:s24+$0x4B80]  }
0x94: {  	v15 =	vld [tilespmem:s24+$0x4B90]  }
0x95: {  	v20 =	vld [tilespmem:s24+$0x4B40]  }
0x96: {  	v21 =	vld [tilespmem:s24+$0x4B50]  }
0x97: {  	v22 =	vld [tilespmem:s24+$0x4B00]  }
0x98: {  	v17 =	vimm.f32 $0.0e+00;
	v24 =	vld [tilespmem:s24+$0x4B10]  }
0x99: {  	v19 =	vimm.f32 $0.0e+00;
	v18 =	vimm.f32 $0.0e+00;
	v16 =	vimm.f32 $0.0e+00;
	s26 =	simm.s32 $0x800;
	v23 =	vld [tilespmem:s24+$0x4B20]  }
.LBB2_5:
0x9a: {  	p0 =	sne.s32 s26, $0xC000;
	v25 =	vld [tilespmem:s24+$0x4B30]  }
0x9b: {  	v26 =	vld [tilespmem:s24+$0x4B60]  }
0x9c: {  	v27 =	vld [tilespmem:s24+$0x4B70]  }
0x9d: {  	v28 =	vld [tilespmem:s24+$0x4BA0]  }
0x9e: {  	v16 =	vadd.f32 v22, v16;
	v19 =	vadd.f32 v24, v19;
	v22 =	vld [tilespmem:s24+$0x4BB0]  }
0x9f: {  	v18 =	vadd.f32 v23, v18;
	v17 =	vadd.f32 v25, v17;
	v23 =	vld [tilespmem:s24+$0x4BE0]  }
0xa0: {  	v16 =	vadd.f32 v20, v16;
	v19 =	vadd.f32 v21, v19;
	v20 =	vld [tilespmem:s24+$0x4BF0]  }
0xa1: {  	v18 =	vadd.f32 v26, v18;
	v17 =	vadd.f32 v27, v17;
	v21 =	vld [tilespmem:s24+$0x4C20]  }
0xa2: {  	v14 =	vadd.f32 v14, v16;
	v15 =	vadd.f32 v15, v19;
	v16 =	vld [tilespmem:s24+$0x4C30]  }
0xa3: {  	v18 =	vadd.f32 v28, v18;
	v17 =	vadd.f32 v22, v17;
	v19 =	vld [tilespmem:s24+$0x4C60]  }
0xa4: {  	v12 =	vadd.f32 v12, v14;
	v13 =	vadd.f32 v13, v15;
	v14 =	vld [tilespmem:s24+$0x4C70]  }
0xa5: {  	v15 =	vadd.f32 v23, v18;
	v17 =	vadd.f32 v20, v17;
	v18 =	vld [tilespmem:s24+$0x4CA0]  }
0xa6: {  	v10 =	vadd.f32 v10, v12;
	v11 =	vadd.f32 v11, v13;
	v12 =	vld [tilespmem:s24+$0x4CB0]  }
0xa7: {  	v13 =	vadd.f32 v21, v15;
	v15 =	vadd.f32 v16, v17;
	v17 =	vld [tilespmem:s24+$0x4CE0]  }
0xa8: {  	v8 =	vadd.f32 v8, v10;
	v9 =	vadd.f32 v9, v11;
	v10 =	vld [tilespmem:s24+$0x4CF0];
	s24 =	sshra.s32 s26, $0x2  }
0xa9: {  	v13 =	vadd.f32 v19, v13;
	v11 =	vld [tilespmem:s24+$0x4CC0];
	v14 =	vadd.f32 v14, v15  }
0xaa: {  	v8 =	vadd.f32 v6, v8;
	v9 =	vadd.f32 v7, v9;
	v15 =	vld [tilespmem:s24+$0x4CD0]  }
0xab: {  	v13 =	vadd.f32 v18, v13;
	v6 =	vld [tilespmem:s24+$0x4C80];
	v12 =	vadd.f32 v12, v14  }
0xac: {  	v16 =	vadd.f32 v4, v8;
	v19 =	vadd.f32 v5, v9;
	v7 =	vld [tilespmem:s24+$0x4C90]  }
0xad: {  	v18 =	vadd.f32 v17, v13;
	v8 =	vld [tilespmem:s24+$0x4C40];
	v17 =	vadd.f32 v10, v12  }
0xae: {  	v9 =	vld [tilespmem:s24+$0x4C50];
	v4 =	vmov v11  }
0xaf: {  	v10 =	vld [tilespmem:s24+$0x4C00];
	v5 =	vmov v15  }
0xb0: {  	v11 =	vld [tilespmem:s24+$0x4C10]  }
0xb1: {  	v12 =	vld [tilespmem:s24+$0x4BC0]  }
0xb2: {  	v13 =	vld [tilespmem:s24+$0x4BD0]  }
0xb3: {  	v14 =	vld [tilespmem:s24+$0x4B80]  }
0xb4: {  	v15 =	vld [tilespmem:s24+$0x4B90]  }
.Ltmp1:
0xb5: {  	v20 =	vld [tilespmem:s24+$0x4B40];
	(pc) =	sbr.rel @p0 .LBB2_5-.Ltmp1, $4  }
0xb6: {  	v21 =	vld [tilespmem:s24+$0x4B50]  }
0xb7: {  	v22 =	vld [tilespmem:s24+$0x4B00]  }
0xb8: {  	v24 =	vld [tilespmem:s24+$0x4B10]  }
0xb9: {  	s26 =	sadd.s32 $0x800, s26;
	v23 =	vld [tilespmem:s24+$0x4B20]  }
0xba: {  	v25 =	vld [tilespmem:s24+$0x4B30]  }
0xbb: {  	v26 =	vld [tilespmem:s24+$0x4B60]  }
0xbc: {  	v27 =	vld [tilespmem:s24+$0x4B70]  }
0xbd: {  	v28 =	vld [tilespmem:s24+$0x4BA0];
	v16 =	vadd.f32 v22, v16  }
0xbe: {  	v42 =	vld [tilespmem:s24+$0x4BB0];
	v19 =	vadd.f32 v24, v19  }
0xbf: {  	v43 =	vld [tilespmem:s24+$0x4BE0];
	v18 =	vadd.f32 v23, v18;
	v16 =	vadd.f32 v20, v16  }
0xc0: {  	v44 =	vld [tilespmem:s24+$0x4BF0];
	v17 =	vadd.f32 v25, v17;
	v19 =	vadd.f32 v21, v19  }
0xc1: {  	v45 =	vld [tilespmem:s24+$0x4C20];
	v18 =	vadd.f32 v26, v18;
	v14 =	vadd.f32 v14, v16  }
0xc2: {  	v47 =	vld [tilespmem:s24+$0x4C30];
	v46 =	vadd.f32 v27, v17;
	v15 =	vadd.f32 v15, v19  }
0xc3: {  	v48 =	vld [tilespmem:s24+$0x4C60];
	v18 =	vadd.f32 v28, v18;
	v12 =	vadd.f32 v12, v14  }
0xc4: {  	v50 =	vld [tilespmem:s24+$0x4C70];
	v49 =	vadd.f32 v42, v46;
	v13 =	vadd.f32 v13, v15  }
0xc5: {  	v52 =	vld [tilespmem:s24+$0x4CA0];
	v51 =	vadd.f32 v43, v18;
	v10 =	vadd.f32 v10, v12  }
0xc6: {  	v54 =	vld [tilespmem:s24+$0x4CB0];
	v53 =	vadd.f32 v44, v49;
	v11 =	vadd.f32 v11, v13  }
0xc7: {  	v56 =	vld [tilespmem:s24+$0x4CE0];
	v55 =	vadd.f32 v45, v51;
	v8 =	vadd.f32 v8, v10  }
0xc8: {  	v58 =	vld.msk [tilespmem:s23+$0x8521 ss:$0x0], $0xffff;
	v57 =	vadd.f32 v47, v53;
	v9 =	vadd.f32 v9, v11  }
0xc9: {  	v59 =	vld [tilespmem:s24+$0x4CF0];
	v14 =	vadd.f32 v48, v55;
	v6 =	vadd.f32 v6, v8  }
0xca: {  	v60 =	vadd.f32 v50, v57;
	v7 =	vadd.f32 v7, v9  }
0xcb: {  	v61 =	vadd.f32 v52, v14;
	v4 =	vadd.f32 v4, v6  }
0xcc: {  	v62 =	vadd.f32 v54, v60;
	v5 =	vadd.f32 v5, v7  }
0xcd: {  	v63 =	vadd.f32 v56, v61;
	v4 =	vmul.f32 v58, v4  }
0xce: {  	s22 =	sadd.s32 $0x1, s22;
	v6 =	vadd.f32 v59, v62;
	v5 =	vmul.f32 v58, v5  }
0xcf: {  	s31 =	sshll.u32 s25, $0x6;
	p0 =	sne.s32 s22, $0x10;
	v4 =	vadd.f32 v4, v0;
	v7 =	vmul.f32 v58, v63  }
.Ltmp2:
0xd0: {  	s23 =	sand.u32 $0x3FFFFFC0, s31;
	v5 =	vadd.f32 v5, v1;
	v6 =	vmul.f32 v58, v6;
	(pc) =	sbr.rel @p0 .LBB2_2-.Ltmp2, $4  }
0xd1: {  	[tilespmem:s23+$0x7D00] =	vst v4;
	v4 =	vadd.f32 v7, v2  }
0xd2: {  	[tilespmem:s23+$0x7D10] =	vst v5;
	v5 =	vadd.f32 v6, v3  }
0xd3: {  	[tilespmem:s23+$0x7D20] =	vst v4  }
0xd4: {  	[tilespmem:s23+$0x7D30] =	vst v5  }
0xd5: {  	s21 =	sadd.s32 $0x1, s21  }
0xd6: {  	p0 =	sne.s32 s21, s8  }
.Ltmp3:
0xd7: {  	_ = 	snop;
	(pc) =	sbr.rel @p0 .LBB2_1-.Ltmp3, $4  }
0xd8: {  	[hbm4b:s7+s3] =	stream.linear.scatter [tilespmem:s20], [sflag:$0x3], $0x800, $0x38;
	[tilespmem:$0x8590] =	vst v63  }
0xd9: {  	_ =	swait.ge [sflag:s9], $0x800  }
0xda: {  	[sflag:s9] =	ssyncset.done $0x0  }
0xdb: {  	[sflag:s9] =	ssyncadd.s32 $0xFFFFF800  }
0xdc: {  	_ =	sfence.sel $0x180000  }
0xdd: {  	[bflag:$0x0] =	sbarrier.arrive $0xFFFF  }
0xde: {  	p0 =	sne.s32 s0, $0x0;
	_ =	strace $0x90000047  }
0xdf: {  	s0 =	sadd.s32 @!p0 $0x100000, s1;
	[bflag:$0x2] =	sbarrier.arrive $0xFFFF  }
0xe0: {  	[sflag:s0] =	ssyncadd.tile.s32 @!p0 $0x1;
	_ =	shalt  }
.Lfunc_end2:
_tile_overlayer_lowered:
.L_overlay_start_2:
0xe1: {  	(tag) =	ssettag $0x2  }
0xe2: {  	s0 =	rddreg [dreg:$0x0];
	s2 =	stileid.u32  }
0xe3: {  	s1 =	rddreg [dreg:$0x1];
	p0 =	sne.s32 s2, $0x0  }
0xe4: {  	s3 =	rddreg [dreg:$0x2];
	[bflag:$0x3] =	sbarrier.arrive $0xFFFF;
	s2 =	simm.s32 @!p0 $0x1C03  }
0xe5: {  	[timem:s3], [sflag:s2] =	dma.local @!p0 [hbm:s0], s1  }
0xe6: {  	s0 =	simm.s32 @!p0 $0x3  }
0xe7: {  	_ =	swait.ge @!p0 [sflag:s0], s1  }
0xe8: {  	s1 =	ssub.s32 @!p0 $0x0, s1;
	[sflag:s0] =	ssyncset.done @!p0 $0x0  }
0xe9: {  	[sflag:s0] =	ssyncadd.s32 @!p0 s1  }
0xea: {  	[bflag:$0x3] =	sbarrier.arrive $0xFFFF  }
0xeb: {  	_ =	shalt  }

</sc_bundles>
